<compile_context>
chip_gen: v7x
topology: tpu7x:2x2x1
jax: 0.10.2.dev20260603
libtpu: 0.0.44.dev20260713+nightly
codegen_flags: <defaults>
</compile_context>

<pallas_src>
import functools

import jax
import jax.numpy as jnp
from jax import lax
from jax.experimental import pallas as pl
from jax.experimental.pallas import tpu as pltpu
from jax.experimental.pallas import tpu_sc as plsc

N_SAMPLES = 2 ** 15
ATOM_LEN = 1024
P_LEN = N_SAMPLES - ATOM_LEN
L = 16
NW = 16
CHUNK = P_LEN // NW
OUT_CHUNK = N_SAMPLES // NW
BIG = 1e9

_mesh = plsc.VectorSubcoreMesh(
    core_axis_name="c", subcore_axis_name="s", num_cores=1)


def _body(p_hbm, atom_hbm, out_hbm, p_v, part_v, all_v, zp_v, atom_v,
          shared, sem_p, sem_atom, sem_part):
    w = lax.axis_index("s")

    cp_p0 = pltpu.async_copy(p_hbm.at[pl.ds(w * CHUNK, CHUNK)], p_v, sem_p)
    cp_atom = pltpu.async_copy(atom_hbm, atom_v, sem_atom)

    NA = 4
    nz = (OUT_CHUNK + 2 * L) // L
    zv = jnp.zeros((L,), dtype=jnp.float32)

    def _zfill(j, _):
        for a in range(NA):
            zp_v[pl.ds((j * NA + a) * L, L)] = zv
        return 0

    lax.fori_loop(0, nz // 2 // NA, _zfill, 0)
    for j in range(nz // 2 // NA * NA, nz // 2):
        zp_v[pl.ds(j * L, L)] = zv

    nv = CHUNK // L

    def _tree(vals, op):
        while len(vals) > 1:
            vals = [op(vals[i], vals[i + 1]) for i in range(0, len(vals) - 1, 2)] \
                + ([vals[-1]] if len(vals) % 2 else [])
        return vals[0]

    lane_f = lax.iota(jnp.int32, 16).astype(jnp.float32)
    base_f = (w * CHUNK).astype(jnp.float32)
    init = (
        tuple(jnp.full((L,), -1.0, dtype=jnp.float32) for _ in range(NA)),
        tuple(jnp.zeros((L,), dtype=jnp.float32) for _ in range(NA)),
        tuple(jnp.zeros((L,), dtype=jnp.float32) for _ in range(NA)),
    )

    def _block(b, carry):
        emaxs, fposs, sums = carry
        emaxs, fposs, sums = list(emaxs), list(fposs), list(sums)
        pos0 = base_f + (b * (NA * L)).astype(jnp.float32)
        for a in range(NA):
            ev = jnp.exp(p_v[pl.ds((b * NA + a) * L, L)])
            sums[a] = sums[a] + ev
            upd = ev > emaxs[a]
            pos = lane_f + (pos0 + float(a * L))
            fposs[a] = jnp.where(upd, pos, fposs[a])
            emaxs[a] = jnp.maximum(emaxs[a], ev)
        return tuple(emaxs), tuple(fposs), tuple(sums)

    nb = nv // NA
    cp_p0.wait()
    emaxs, fposs, sums = lax.fori_loop(0, nb, _block, init)

    emax = emaxs[0]
    fpos = fposs[0]
    for a in range(1, NA):
        both = emaxs[a] == emax
        take = emaxs[a] > emax
        fpos = jnp.where(take, fposs[a],
                         jnp.where(both, jnp.minimum(fpos, fposs[a]), fpos))
        emax = jnp.maximum(emax, emaxs[a])
    e_sum = _tree(list(sums), jnp.add)

    m_w = _tree([emax[l] for l in range(L)], jnp.maximum)
    m_splat = jnp.full((L,), m_w, dtype=jnp.float32)
    s_w = _tree([e_sum[l] for l in range(L)], jnp.add)
    cand = jnp.where(emax == m_splat, fpos, BIG)
    f_w = _tree([cand[l] for l in range(L)], jnp.minimum)

    part_v[0] = m_splat
    part_v[1] = jnp.full((L,), s_w, dtype=jnp.float32)
    part_v[2] = jnp.full((L,), f_w, dtype=jnp.float32)
    cp_part = pltpu.async_copy(part_v, shared.at[w], sem_part)

    def _zfill2(j, _):
        for a in range(NA):
            zp_v[pl.ds((j * NA + a) * L, L)] = zv
        return 0

    lax.fori_loop(nz // 2 // NA, nz // NA, _zfill2, 0)
    for j in range(nz // NA * NA, nz):
        zp_v[pl.ds(j * L, L)] = zv
    cp_part.wait()

    plsc.subcore_barrier()

    pltpu.sync_copy(shared, all_v)

    def _comb(i, carry):
        mg, sg, fg = carry
        mi = all_v[i, 0]
        take = mi > mg
        both = mi == mg
        fi = all_v[i, 2]
        fg = jnp.where(take, fi,
                       jnp.where(both, jnp.minimum(fg, fi), fg))
        return (jnp.maximum(mg, mi), sg + all_v[i, 1], fg)

    mg, sg, fg = lax.fori_loop(
        0, NW, _comb,
        (jnp.full((L,), -1.0, dtype=jnp.float32),
         jnp.zeros((L,), dtype=jnp.float32),
         jnp.zeros((L,), dtype=jnp.float32)))
    v_splat = mg / sg
    idx = fg[0].astype(jnp.int32)

    lo = w * OUT_CHUNK
    t_lo = jnp.maximum(idx, lo)
    t_hi = jnp.minimum(idx + ATOM_LEN, lo + OUT_CHUNK)
    valid = t_lo < t_hi
    k_lo = jnp.where(valid, (t_lo - idx) // L, 0)
    k_hi = jnp.where(valid, (t_hi - idx + (L - 1)) // L, 0)

    cp_atom.wait()

    def _overlay(k, carry):
        dst = idx + k * L - lo + L
        zp_v[pl.ds(dst, L)] = v_splat * atom_v[pl.ds(k * L, L)]
        return carry

    lax.fori_loop(k_lo, k_hi, _overlay, 0)

    pltpu.sync_copy(zp_v.at[pl.ds(L, OUT_CHUNK)],
                    out_hbm.at[pl.ds(lo, OUT_CHUNK)])


@functools.partial(
    pl.kernel,
    out_type=jax.ShapeDtypeStruct((N_SAMPLES,), jnp.float32),
    mesh=_mesh,
    scratch_types=[
        pltpu.VMEM((CHUNK,), jnp.float32),
        pltpu.VMEM((3, L), jnp.float32),
        pltpu.VMEM((NW, 3, L), jnp.float32),
        pltpu.VMEM((OUT_CHUNK + 2 * L,), jnp.float32),
        pltpu.VMEM((ATOM_LEN,), jnp.float32),
        pltpu.VMEM_SHARED((NW, 3, L), jnp.float32),
        pltpu.SemaphoreType.DMA,
        pltpu.SemaphoreType.DMA,
        pltpu.SemaphoreType.DMA,
    ],
)
def _sc_kernel(p_hbm, atom_hbm, out_hbm, *scratch):
    _body(p_hbm, atom_hbm, out_hbm, *scratch)


def kernel(x, p, atom):
    del x
    return _sc_kernel(p, atom)

# --- scband reference (transcript-rebuilt; emitter-appended) ---
"""Pipeline reference for scband-model-68135361184461 (READ-ONLY COPY).

The authoritative reference and input builder live on the scoring server;
editing this copy changes nothing except your own understanding.
"""

import jax, jax.numpy as jnp
import numpy as np

N_SAMPLES = 2 ** 15
ATOM_LEN = 1024
P_LEN = N_SAMPLES - ATOM_LEN


def _make_atom():
    # Reconstruct the 10th band of a 128-band mel-scale morlet filter bank
    # over 20 Hz .. nyquist at 22050 Hz (real part): windowed cosine.
    sr = 22050.0

    def hz_to_mel(f):
        return 2595.0 * np.log10(1.0 + f / 700.0)

    def mel_to_hz(m):
        return 700.0 * (10.0 ** (m / 2595.0) - 1.0)

    lo, hi = hz_to_mel(20.0), hz_to_mel(sr / 2.0)
    edges = np.linspace(lo, hi, 128 + 1)
    center_hz = mel_to_hz((edges[10] + edges[11]) / 2.0)
    t = (np.arange(ATOM_LEN) - ATOM_LEN / 2.0) / sr
    scaling = 0.1
    sigma = 1.0 / (scaling * 2.0 * np.pi * center_hz / 10.0 + 1e-12)
    window = np.exp(-0.5 * (t / (sigma + 1e-12)) ** 2)
    atom = np.cos(2.0 * np.pi * center_hz * t) * window
    atom = atom / (np.linalg.norm(atom) + 1e-12)
    return jnp.asarray(atom, dtype=jnp.float32)


def setup_inputs(seed: int = 0) -> dict:
    key = jax.random.key(seed)
    k_x, k_p = jax.random.split(key)
    x = jax.random.normal(k_x, (N_SAMPLES,), dtype=jnp.float32)
    # nn.Parameter(torch.zeros(n_samples - 1024).normal_(0, 1))
    p = jax.random.normal(k_p, (P_LEN,), dtype=jnp.float32)
    atom = _make_atom()
    return {"x": x, "p": p, "atom": atom}


def reference(x, p, atom):
    sm = jax.nn.softmax(p, axis=-1)
    indices = jnp.argmax(sm, axis=-1)
    values = jnp.max(sm, axis=-1)
    v = jnp.mean(values)  # scalar
    output = jnp.zeros((N_SAMPLES,), dtype=jnp.float32)
    # output[indices:indices+1024] = v * atom  (scatter-overwrite at dynamic index)
    output = jax.lax.dynamic_update_slice(output, v * atom, (indices,))
    return output

if __name__ == "__main__":
    import jax
    _d = setup_inputs()
    print(jax.jit(kernel)(*tuple(_d.values())))

</pallas_src>

<mosaic_0001>
#map = affine_map<(d0, d1) -> (0)>
module attributes {stable_mosaic.version = 14 : i64} {
  func.func @_sc_kernel(%arg0: i32, %arg1: i32, %arg2: memref<31744xf32, #tpu.memory_space<hbm>>, %arg3: memref<1024xf32, #tpu.memory_space<hbm>>, %arg4: memref<32768xf32, #tpu.memory_space<hbm>>, %arg5: memref<1984xf32, #tpu.memory_space<vmem>>, %arg6: memref<3x16xf32, #tpu.memory_space<vmem>>, %arg7: memref<16x3x16xf32, #tpu.memory_space<vmem>>, %arg8: memref<2080xf32, #tpu.memory_space<vmem>>, %arg9: memref<1024xf32, #tpu.memory_space<vmem>>, %arg10: memref<16x3x16xf32, #tpu.memory_space<vmem_shared>>, %arg11: memref<!tpu.dma_semaphore, #tpu.memory_space<semaphore_mem>>, %arg12: memref<!tpu.dma_semaphore, #tpu.memory_space<semaphore_mem>>, %arg13: memref<!tpu.dma_semaphore, #tpu.memory_space<semaphore_mem>>) attributes {dimension_semantics = [#tpu.dimension_semantics<core_parallel>, #tpu.dimension_semantics<subcore_parallel>], iteration_bounds = array<i64: 1, 16>, scalar_prefetch = 0 : i64, scratch_operands = 9 : i64, tpu.core_type = #tpu.core_type<sc_vector_subcore>, window_params = [{transform_indices = #map}, {transform_indices = #map}, {transform_indices = #map}]} {
    %mul3A = arith.constant 1984 : i32
    %mul3A_0 = arith.muli %arg1, %mul3A : i32
    %dma_start3A = tpu.memref_slice %arg2[%mul3A_0] : memref<31744xf32, #tpu.memory_space<hbm>> -> memref<1984xf32, #tpu.memory_space<hbm>>
    %dma_start3A_1 = tpu.memref_slice %arg2[%mul3A_0] : memref<31744xf32, #tpu.memory_space<hbm>> -> memref<1984xf32, #tpu.memory_space<hbm>>
    tpu.enqueue_dma source(%dma_start3A_1 : memref<1984xf32, #tpu.memory_space<hbm>>) target(%arg5 : memref<1984xf32, #tpu.memory_space<vmem>>) target_semaphore(%arg11 : memref<!tpu.dma_semaphore, #tpu.memory_space<semaphore_mem>>)
    tpu.enqueue_dma source(%arg3 : memref<1024xf32, #tpu.memory_space<hbm>>) target(%arg9 : memref<1024xf32, #tpu.memory_space<vmem>>) target_semaphore(%arg12 : memref<!tpu.dma_semaphore, #tpu.memory_space<semaphore_mem>>)
    %broadcast_in_dim3A = arith.constant 0.000000e+00 : f32
    %broadcast_in_dim3A_2 = vector.broadcast %broadcast_in_dim3A : f32 to vector<16xf32>
    %scan3A = arith.constant 0 : i32
    %scan3A_3 = arith.constant 0 : i32
    %scan3A_4 = arith.constant 16 : i32
    %scan3A_5 = arith.addi %scan3A_3, %scan3A_4 : i32
    %scan3A_6 = arith.constant 1 : i32
    %scan3A_7 = scf.for %scan3A_337 = %scan3A_3 to %scan3A_5 step %scan3A_6 iter_args(%scan3A_338 = %scan3A) -> (i32)  : i32 {
      %mul3A_339 = arith.constant 4 : i32
      %mul3A_340 = arith.muli %scan3A_337, %mul3A_339 : i32
      %add3A_341 = arith.constant 0 : i32
      %add3A_342 = arith.addi %mul3A_340, %add3A_341 : i32
      %mul3A_343 = arith.constant 16 : i32
      %mul3A_344 = arith.muli %add3A_342, %mul3A_343 : i32
      %swap3A_345 = arith.index_cast %mul3A_344 : i32 to index
      %swap3A_346 = tpu.vector_load %arg8[%swap3A_345] {strides = array<i32>} : memref<2080xf32, #tpu.memory_space<vmem>>, vector<16xf32>,
      %swap3A_347 = vector.shape_cast %swap3A_346 : vector<16xf32> to vector<16xf32>
      %swap3A_348 = vector.shape_cast %broadcast_in_dim3A_2 : vector<16xf32> to vector<16xf32>
      tpu.vector_store %arg8[%swap3A_345], %swap3A_348 {strides = array<i32>} : memref<2080xf32, #tpu.memory_space<vmem>>, vector<16xf32>,
      %mul3A_349 = arith.constant 4 : i32
      %mul3A_350 = arith.muli %scan3A_337, %mul3A_349 : i32
      %add3A_351 = arith.constant 1 : i32
      %add3A_352 = arith.addi %mul3A_350, %add3A_351 : i32
      %mul3A_353 = arith.constant 16 : i32
      %mul3A_354 = arith.muli %add3A_352, %mul3A_353 : i32
      %swap3A_355 = arith.index_cast %mul3A_354 : i32 to index
      %swap3A_356 = tpu.vector_load %arg8[%swap3A_355] {strides = array<i32>} : memref<2080xf32, #tpu.memory_space<vmem>>, vector<16xf32>,
      %swap3A_357 = vector.shape_cast %swap3A_356 : vector<16xf32> to vector<16xf32>
      %swap3A_358 = vector.shape_cast %broadcast_in_dim3A_2 : vector<16xf32> to vector<16xf32>
      tpu.vector_store %arg8[%swap3A_355], %swap3A_358 {strides = array<i32>} : memref<2080xf32, #tpu.memory_space<vmem>>, vector<16xf32>,
      %mul3A_359 = arith.constant 4 : i32
      %mul3A_360 = arith.muli %scan3A_337, %mul3A_359 : i32
      %add3A_361 = arith.constant 2 : i32
      %add3A_362 = arith.addi %mul3A_360, %add3A_361 : i32
      %mul3A_363 = arith.constant 16 : i32
      %mul3A_364 = arith.muli %add3A_362, %mul3A_363 : i32
      %swap3A_365 = arith.index_cast %mul3A_364 : i32 to index
      %swap3A_366 = tpu.vector_load %arg8[%swap3A_365] {strides = array<i32>} : memref<2080xf32, #tpu.memory_space<vmem>>, vector<16xf32>,
      %swap3A_367 = vector.shape_cast %swap3A_366 : vector<16xf32> to vector<16xf32>
      %swap3A_368 = vector.shape_cast %broadcast_in_dim3A_2 : vector<16xf32> to vector<16xf32>
      tpu.vector_store %arg8[%swap3A_365], %swap3A_368 {strides = array<i32>} : memref<2080xf32, #tpu.memory_space<vmem>>, vector<16xf32>,
      %mul3A_369 = arith.constant 4 : i32
      %mul3A_370 = arith.muli %scan3A_337, %mul3A_369 : i32
      %add3A_371 = arith.constant 3 : i32
      %add3A_372 = arith.addi %mul3A_370, %add3A_371 : i32
      %mul3A_373 = arith.constant 16 : i32
      %mul3A_374 = arith.muli %add3A_372, %mul3A_373 : i32
      %swap3A_375 = arith.index_cast %mul3A_374 : i32 to index
      %swap3A_376 = tpu.vector_load %arg8[%swap3A_375] {strides = array<i32>} : memref<2080xf32, #tpu.memory_space<vmem>>, vector<16xf32>,
      %swap3A_377 = vector.shape_cast %swap3A_376 : vector<16xf32> to vector<16xf32>
      %swap3A_378 = vector.shape_cast %broadcast_in_dim3A_2 : vector<16xf32> to vector<16xf32>
      tpu.vector_store %arg8[%swap3A_375], %swap3A_378 {strides = array<i32>} : memref<2080xf32, #tpu.memory_space<vmem>>, vector<16xf32>,
      %scan3A_379 = arith.constant 0 : i32
      scf.yield %scan3A_379 : i32
    }
    %scan3A_8 = arith.constant 16 : i32
    %swap3A = arith.constant 1024 : index
    %swap3A_9 = tpu.vector_load %arg8[%swap3A] {strides = array<i32>} : memref<2080xf32, #tpu.memory_space<vmem>>, vector<16xf32>,
    %swap3A_10 = vector.shape_cast %swap3A_9 : vector<16xf32> to vector<16xf32>
    %swap3A_11 = vector.shape_cast %broadcast_in_dim3A_2 : vector<16xf32> to vector<16xf32>
    tpu.vector_store %arg8[%swap3A], %swap3A_11 {strides = array<i32>} : memref<2080xf32, #tpu.memory_space<vmem>>, vector<16xf32>,
    %iota3A = tpu.iota {dimensions = array<i32: 0>} : vector<16xi32>
    %convert_element_type3A = arith.sitofp %iota3A : vector<16xi32> to vector<16xf32>
    %mul3A_12 = arith.constant 1984 : i32
    %mul3A_13 = arith.muli %arg1, %mul3A_12 : i32
    %convert_element_type3A_14 = arith.sitofp %mul3A_13 : i32 to f32
    %broadcast_in_dim3A_15 = arith.constant -1.000000e+00 : f32
    %broadcast_in_dim3A_16 = vector.broadcast %broadcast_in_dim3A_15 : f32 to vector<16xf32>
    %broadcast_in_dim3A_17 = arith.constant -1.000000e+00 : f32
    %broadcast_in_dim3A_18 = vector.broadcast %broadcast_in_dim3A_17 : f32 to vector<16xf32>
    %broadcast_in_dim3A_19 = arith.constant -1.000000e+00 : f32
    %broadcast_in_dim3A_20 = vector.broadcast %broadcast_in_dim3A_19 : f32 to vector<16xf32>
    %broadcast_in_dim3A_21 = arith.constant -1.000000e+00 : f32
    %broadcast_in_dim3A_22 = vector.broadcast %broadcast_in_dim3A_21 : f32 to vector<16xf32>
    %broadcast_in_dim3A_23 = arith.constant 0.000000e+00 : f32
    %broadcast_in_dim3A_24 = vector.broadcast %broadcast_in_dim3A_23 : f32 to vector<16xf32>
    %broadcast_in_dim3A_25 = arith.constant 0.000000e+00 : f32
    %broadcast_in_dim3A_26 = vector.broadcast %broadcast_in_dim3A_25 : f32 to vector<16xf32>
    %broadcast_in_dim3A_27 = arith.constant 0.000000e+00 : f32
    %broadcast_in_dim3A_28 = vector.broadcast %broadcast_in_dim3A_27 : f32 to vector<16xf32>
    %broadcast_in_dim3A_29 = arith.constant 0.000000e+00 : f32
    %broadcast_in_dim3A_30 = vector.broadcast %broadcast_in_dim3A_29 : f32 to vector<16xf32>
    %broadcast_in_dim3A_31 = arith.constant 0.000000e+00 : f32
    %broadcast_in_dim3A_32 = vector.broadcast %broadcast_in_dim3A_31 : f32 to vector<16xf32>
    %broadcast_in_dim3A_33 = arith.constant 0.000000e+00 : f32
    %broadcast_in_dim3A_34 = vector.broadcast %broadcast_in_dim3A_33 : f32 to vector<16xf32>
    %broadcast_in_dim3A_35 = arith.constant 0.000000e+00 : f32
    %broadcast_in_dim3A_36 = vector.broadcast %broadcast_in_dim3A_35 : f32 to vector<16xf32>
    %broadcast_in_dim3A_37 = arith.constant 0.000000e+00 : f32
    %broadcast_in_dim3A_38 = vector.broadcast %broadcast_in_dim3A_37 : f32 to vector<16xf32>
    %dma_wait3A = tpu.memref_slice %arg2[%mul3A_0] : memref<31744xf32, #tpu.memory_space<hbm>> -> memref<1984xf32, #tpu.memory_space<hbm>>
    %dma_wait3A_39 = tpu.memref_slice %arg2[%mul3A_0] : memref<31744xf32, #tpu.memory_space<hbm>> -> memref<1984xf32, #tpu.memory_space<hbm>>
    tpu.wait_dma2 semaphore(%arg11 : memref<!tpu.dma_semaphore, #tpu.memory_space<semaphore_mem>>) src(%dma_wait3A_39 : memref<1984xf32, #tpu.memory_space<hbm>>) dst(%arg5 : memref<1984xf32, #tpu.memory_space<vmem>>)
    %scan3A_40 = arith.constant 0 : i32
    %scan3A_41 = arith.constant 31 : i32
    %scan3A_42 = arith.addi %scan3A_40, %scan3A_41 : i32
    %scan3A_43 = arith.constant 1 : i32
    %scan3A_44:12 = scf.for %scan3A_337 = %scan3A_40 to %scan3A_42 step %scan3A_43 iter_args(%scan3A_338 = %broadcast_in_dim3A_16, %scan3A_339 = %broadcast_in_dim3A_18, %scan3A_340 = %broadcast_in_dim3A_20, %scan3A_341 = %broadcast_in_dim3A_22, %scan3A_342 = %broadcast_in_dim3A_24, %scan3A_343 = %broadcast_in_dim3A_26, %scan3A_344 = %broadcast_in_dim3A_28, %scan3A_345 = %broadcast_in_dim3A_30, %scan3A_346 = %broadcast_in_dim3A_32, %scan3A_347 = %broadcast_in_dim3A_34, %scan3A_348 = %broadcast_in_dim3A_36, %scan3A_349 = %broadcast_in_dim3A_38) -> (vector<16xf32>, vector<16xf32>, vector<16xf32>, vector<16xf32>, vector<16xf32>, vector<16xf32>, vector<16xf32>, vector<16xf32>, vector<16xf32>, vector<16xf32>, vector<16xf32>, vector<16xf32>)  : i32 {
      %mul3A_350 = arith.constant 64 : i32
      %mul3A_351 = arith.muli %scan3A_337, %mul3A_350 : i32
      %convert_element_type3A_352 = arith.sitofp %mul3A_351 : i32 to f32
      %add3A_353 = arith.addf %convert_element_type3A_14, %convert_element_type3A_352 : f32
      %mul3A_354 = arith.constant 4 : i32
      %mul3A_355 = arith.muli %scan3A_337, %mul3A_354 : i32
      %add3A_356 = arith.constant 0 : i32
      %add3A_357 = arith.addi %mul3A_355, %add3A_356 : i32
      %mul3A_358 = arith.constant 16 : i32
      %mul3A_359 = arith.muli %add3A_357, %mul3A_358 : i32
      %get3A = arith.index_cast %mul3A_359 : i32 to index
      %get3A_360 = tpu.vector_load %arg5[%get3A] {strides = array<i32>} : memref<1984xf32, #tpu.memory_space<vmem>>, vector<16xf32>,
      %get3A_361 = vector.shape_cast %get3A_360 : vector<16xf32> to vector<16xf32>
      %exp3A = math.exp %get3A_361 : vector<16xf32>
      %add3A_362 = arith.addf %scan3A_346, %exp3A : vector<16xf32>
      %gt3A_363 = arith.cmpf ogt, %exp3A, %scan3A_338 : vector<16xf32>
      %add3A_364 = arith.constant 0.000000e+00 : f32
      %add3A_365 = arith.addf %add3A_353, %add3A_364 : f32
      %add3A_366 = vector.broadcast %add3A_365 : f32 to vector<16xf32>
      %add3A_367 = arith.addf %convert_element_type3A, %add3A_366 : vector<16xf32>
      %select_n3A_368 = arith.select %gt3A_363, %add3A_367, %scan3A_342 : vector<16xi1>, vector<16xf32>
      %max3A_369 = arith.maximumf %scan3A_338, %exp3A : vector<16xf32>
      %mul3A_370 = arith.constant 4 : i32
      %mul3A_371 = arith.muli %scan3A_337, %mul3A_370 : i32
      %add3A_372 = arith.constant 1 : i32
      %add3A_373 = arith.addi %mul3A_371, %add3A_372 : i32
      %mul3A_374 = arith.constant 16 : i32
      %mul3A_375 = arith.muli %add3A_373, %mul3A_374 : i32
      %get3A_376 = arith.index_cast %mul3A_375 : i32 to index
      %get3A_377 = tpu.vector_load %arg5[%get3A_376] {strides = array<i32>} : memref<1984xf32, #tpu.memory_space<vmem>>, vector<16xf32>,
      %get3A_378 = vector.shape_cast %get3A_377 : vector<16xf32> to vector<16xf32>
      %exp3A_379 = math.exp %get3A_378 : vector<16xf32>
      %add3A_380 = arith.addf %scan3A_347, %exp3A_379 : vector<16xf32>
      %gt3A_381 = arith.cmpf ogt, %exp3A_379, %scan3A_339 : vector<16xf32>
      %add3A_382 = arith.constant 1.600000e+01 : f32
      %add3A_383 = arith.addf %add3A_353, %add3A_382 : f32
      %add3A_384 = vector.broadcast %add3A_383 : f32 to vector<16xf32>
      %add3A_385 = arith.addf %convert_element_type3A, %add3A_384 : vector<16xf32>
      %select_n3A_386 = arith.select %gt3A_381, %add3A_385, %scan3A_343 : vector<16xi1>, vector<16xf32>
      %max3A_387 = arith.maximumf %scan3A_339, %exp3A_379 : vector<16xf32>
      %mul3A_388 = arith.constant 4 : i32
      %mul3A_389 = arith.muli %scan3A_337, %mul3A_388 : i32
      %add3A_390 = arith.constant 2 : i32
      %add3A_391 = arith.addi %mul3A_389, %add3A_390 : i32
      %mul3A_392 = arith.constant 16 : i32
      %mul3A_393 = arith.muli %add3A_391, %mul3A_392 : i32
      %get3A_394 = arith.index_cast %mul3A_393 : i32 to index
      %get3A_395 = tpu.vector_load %arg5[%get3A_394] {strides = array<i32>} : memref<1984xf32, #tpu.memory_space<vmem>>, vector<16xf32>,
      %get3A_396 = vector.shape_cast %get3A_395 : vector<16xf32> to vector<16xf32>
      %exp3A_397 = math.exp %get3A_396 : vector<16xf32>
      %add3A_398 = arith.addf %scan3A_348, %exp3A_397 : vector<16xf32>
      %gt3A_399 = arith.cmpf ogt, %exp3A_397, %scan3A_340 : vector<16xf32>
      %add3A_400 = arith.constant 3.200000e+01 : f32
      %add3A_401 = arith.addf %add3A_353, %add3A_400 : f32
      %add3A_402 = vector.broadcast %add3A_401 : f32 to vector<16xf32>
      %add3A_403 = arith.addf %convert_element_type3A, %add3A_402 : vector<16xf32>
      %select_n3A_404 = arith.select %gt3A_399, %add3A_403, %scan3A_344 : vector<16xi1>, vector<16xf32>
      %max3A_405 = arith.maximumf %scan3A_340, %exp3A_397 : vector<16xf32>
      %mul3A_406 = arith.constant 4 : i32
      %mul3A_407 = arith.muli %scan3A_337, %mul3A_406 : i32
      %add3A_408 = arith.constant 3 : i32
      %add3A_409 = arith.addi %mul3A_407, %add3A_408 : i32
      %mul3A_410 = arith.constant 16 : i32
      %mul3A_411 = arith.muli %add3A_409, %mul3A_410 : i32
      %get3A_412 = arith.index_cast %mul3A_411 : i32 to index
      %get3A_413 = tpu.vector_load %arg5[%get3A_412] {strides = array<i32>} : memref<1984xf32, #tpu.memory_space<vmem>>, vector<16xf32>,
      %get3A_414 = vector.shape_cast %get3A_413 : vector<16xf32> to vector<16xf32>
      %exp3A_415 = math.exp %get3A_414 : vector<16xf32>
      %add3A_416 = arith.addf %scan3A_349, %exp3A_415 : vector<16xf32>
      %gt3A_417 = arith.cmpf ogt, %exp3A_415, %scan3A_341 : vector<16xf32>
      %add3A_418 = arith.constant 4.800000e+01 : f32
      %add3A_419 = arith.addf %add3A_353, %add3A_418 : f32
      %add3A_420 = vector.broadcast %add3A_419 : f32 to vector<16xf32>
      %add3A_421 = arith.addf %convert_element_type3A, %add3A_420 : vector<16xf32>
      %select_n3A_422 = arith.select %gt3A_417, %add3A_421, %scan3A_345 : vector<16xi1>, vector<16xf32>
      %max3A_423 = arith.maximumf %scan3A_341, %exp3A_415 : vector<16xf32>
      scf.yield %max3A_369, %max3A_387, %max3A_405, %max3A_423, %select_n3A_368, %select_n3A_386, %select_n3A_404, %select_n3A_422, %add3A_362, %add3A_380, %add3A_398, %add3A_416 : vector<16xf32>, vector<16xf32>, vector<16xf32>, vector<16xf32>, vector<16xf32>, vector<16xf32>, vector<16xf32>, vector<16xf32>, vector<16xf32>, vector<16xf32>, vector<16xf32>, vector<16xf32>
    }
    %scan3A_45 = arith.constant 31 : i32
    %eq3A = arith.cmpf oeq, %scan3A_44#1, %scan3A_44#0 : vector<16xf32>
    %gt3A = arith.cmpf ogt, %scan3A_44#1, %scan3A_44#0 : vector<16xf32>
    %min3A = arith.minimumf %scan3A_44#4, %scan3A_44#5 : vector<16xf32>
    %select_n3A = arith.select %eq3A, %min3A, %scan3A_44#4 : vector<16xi1>, vector<16xf32>
    %select_n3A_46 = arith.select %gt3A, %scan3A_44#5, %select_n3A : vector<16xi1>, vector<16xf32>
    %max3A = arith.maximumf %scan3A_44#0, %scan3A_44#1 : vector<16xf32>
    %eq3A_47 = arith.cmpf oeq, %scan3A_44#2, %max3A : vector<16xf32>
    %gt3A_48 = arith.cmpf ogt, %scan3A_44#2, %max3A : vector<16xf32>
    %min3A_49 = arith.minimumf %select_n3A_46, %scan3A_44#6 : vector<16xf32>
    %select_n3A_50 = arith.select %eq3A_47, %min3A_49, %select_n3A_46 : vector<16xi1>, vector<16xf32>
    %select_n3A_51 = arith.select %gt3A_48, %scan3A_44#6, %select_n3A_50 : vector<16xi1>, vector<16xf32>
    %max3A_52 = arith.maximumf %max3A, %scan3A_44#2 : vector<16xf32>
    %eq3A_53 = arith.cmpf oeq, %scan3A_44#3, %max3A_52 : vector<16xf32>
    %gt3A_54 = arith.cmpf ogt, %scan3A_44#3, %max3A_52 : vector<16xf32>
    %min3A_55 = arith.minimumf %select_n3A_51, %scan3A_44#7 : vector<16xf32>
    %select_n3A_56 = arith.select %eq3A_53, %min3A_55, %select_n3A_51 : vector<16xi1>, vector<16xf32>
    %select_n3A_57 = arith.select %gt3A_54, %scan3A_44#7, %select_n3A_56 : vector<16xi1>, vector<16xf32>
    %max3A_58 = arith.maximumf %max3A_52, %scan3A_44#3 : vector<16xf32>
    %add3A = arith.addf %scan3A_44#8, %scan3A_44#9 : vector<16xf32>
    %add3A_59 = arith.addf %scan3A_44#10, %scan3A_44#11 : vector<16xf32>
    %add3A_60 = arith.addf %add3A, %add3A_59 : vector<16xf32>
    %slice3A = vector.extract_strided_slice %max3A_58 {offsets = [0], sizes = [1], strides = [1]} : vector<16xf32> to vector<1xf32>
    %squeeze3A = vector.extract %slice3A[0] : f32 from vector<1xf32>
    %slice3A_61 = vector.extract_strided_slice %max3A_58 {offsets = [1], sizes = [1], strides = [1]} : vector<16xf32> to vector<1xf32>
    %squeeze3A_62 = vector.extract %slice3A_61[0] : f32 from vector<1xf32>
    %slice3A_63 = vector.extract_strided_slice %max3A_58 {offsets = [2], sizes = [1], strides = [1]} : vector<16xf32> to vector<1xf32>
    %squeeze3A_64 = vector.extract %slice3A_63[0] : f32 from vector<1xf32>
    %slice3A_65 = vector.extract_strided_slice %max3A_58 {offsets = [3], sizes = [1], strides = [1]} : vector<16xf32> to vector<1xf32>
    %squeeze3A_66 = vector.extract %slice3A_65[0] : f32 from vector<1xf32>
    %slice3A_67 = vector.extract_strided_slice %max3A_58 {offsets = [4], sizes = [1], strides = [1]} : vector<16xf32> to vector<1xf32>
    %squeeze3A_68 = vector.extract %slice3A_67[0] : f32 from vector<1xf32>
    %slice3A_69 = vector.extract_strided_slice %max3A_58 {offsets = [5], sizes = [1], strides = [1]} : vector<16xf32> to vector<1xf32>
    %squeeze3A_70 = vector.extract %slice3A_69[0] : f32 from vector<1xf32>
    %slice3A_71 = vector.extract_strided_slice %max3A_58 {offsets = [6], sizes = [1], strides = [1]} : vector<16xf32> to vector<1xf32>
    %squeeze3A_72 = vector.extract %slice3A_71[0] : f32 from vector<1xf32>
    %slice3A_73 = vector.extract_strided_slice %max3A_58 {offsets = [7], sizes = [1], strides = [1]} : vector<16xf32> to vector<1xf32>
    %squeeze3A_74 = vector.extract %slice3A_73[0] : f32 from vector<1xf32>
    %slice3A_75 = vector.extract_strided_slice %max3A_58 {offsets = [8], sizes = [1], strides = [1]} : vector<16xf32> to vector<1xf32>
    %squeeze3A_76 = vector.extract %slice3A_75[0] : f32 from vector<1xf32>
    %slice3A_77 = vector.extract_strided_slice %max3A_58 {offsets = [9], sizes = [1], strides = [1]} : vector<16xf32> to vector<1xf32>
    %squeeze3A_78 = vector.extract %slice3A_77[0] : f32 from vector<1xf32>
    %slice3A_79 = vector.extract_strided_slice %max3A_58 {offsets = [10], sizes = [1], strides = [1]} : vector<16xf32> to vector<1xf32>
    %squeeze3A_80 = vector.extract %slice3A_79[0] : f32 from vector<1xf32>
    %slice3A_81 = vector.extract_strided_slice %max3A_58 {offsets = [11], sizes = [1], strides = [1]} : vector<16xf32> to vector<1xf32>
    %squeeze3A_82 = vector.extract %slice3A_81[0] : f32 from vector<1xf32>
    %slice3A_83 = vector.extract_strided_slice %max3A_58 {offsets = [12], sizes = [1], strides = [1]} : vector<16xf32> to vector<1xf32>
    %squeeze3A_84 = vector.extract %slice3A_83[0] : f32 from vector<1xf32>
    %slice3A_85 = vector.extract_strided_slice %max3A_58 {offsets = [13], sizes = [1], strides = [1]} : vector<16xf32> to vector<1xf32>
    %squeeze3A_86 = vector.extract %slice3A_85[0] : f32 from vector<1xf32>
    %slice3A_87 = vector.extract_strided_slice %max3A_58 {offsets = [14], sizes = [1], strides = [1]} : vector<16xf32> to vector<1xf32>
    %squeeze3A_88 = vector.extract %slice3A_87[0] : f32 from vector<1xf32>
    %slice3A_89 = vector.extract_strided_slice %max3A_58 {offsets = [15], sizes = [1], strides = [1]} : vector<16xf32> to vector<1xf32>
    %squeeze3A_90 = vector.extract %slice3A_89[0] : f32 from vector<1xf32>
    %max3A_91 = arith.maximumf %squeeze3A, %squeeze3A_62 : f32
    %max3A_92 = arith.maximumf %squeeze3A_64, %squeeze3A_66 : f32
    %max3A_93 = arith.maximumf %squeeze3A_68, %squeeze3A_70 : f32
    %max3A_94 = arith.maximumf %squeeze3A_72, %squeeze3A_74 : f32
    %max3A_95 = arith.maximumf %squeeze3A_76, %squeeze3A_78 : f32
    %max3A_96 = arith.maximumf %squeeze3A_80, %squeeze3A_82 : f32
    %max3A_97 = arith.maximumf %squeeze3A_84, %squeeze3A_86 : f32
    %max3A_98 = arith.maximumf %squeeze3A_88, %squeeze3A_90 : f32
    %max3A_99 = arith.maximumf %max3A_91, %max3A_92 : f32
    %max3A_100 = arith.maximumf %max3A_93, %max3A_94 : f32
    %max3A_101 = arith.maximumf %max3A_95, %max3A_96 : f32
    %max3A_102 = arith.maximumf %max3A_97, %max3A_98 : f32
    %max3A_103 = arith.maximumf %max3A_99, %max3A_100 : f32
    %max3A_104 = arith.maximumf %max3A_101, %max3A_102 : f32
    %max3A_105 = arith.maximumf %max3A_103, %max3A_104 : f32
    %broadcast_in_dim3A_106 = vector.broadcast %max3A_105 : f32 to vector<16xf32>
    %slice3A_107 = vector.extract_strided_slice %add3A_60 {offsets = [0], sizes = [1], strides = [1]} : vector<16xf32> to vector<1xf32>
    %squeeze3A_108 = vector.extract %slice3A_107[0] : f32 from vector<1xf32>
    %slice3A_109 = vector.extract_strided_slice %add3A_60 {offsets = [1], sizes = [1], strides = [1]} : vector<16xf32> to vector<1xf32>
    %squeeze3A_110 = vector.extract %slice3A_109[0] : f32 from vector<1xf32>
    %slice3A_111 = vector.extract_strided_slice %add3A_60 {offsets = [2], sizes = [1], strides = [1]} : vector<16xf32> to vector<1xf32>
    %squeeze3A_112 = vector.extract %slice3A_111[0] : f32 from vector<1xf32>
    %slice3A_113 = vector.extract_strided_slice %add3A_60 {offsets = [3], sizes = [1], strides = [1]} : vector<16xf32> to vector<1xf32>
    %squeeze3A_114 = vector.extract %slice3A_113[0] : f32 from vector<1xf32>
    %slice3A_115 = vector.extract_strided_slice %add3A_60 {offsets = [4], sizes = [1], strides = [1]} : vector<16xf32> to vector<1xf32>
    %squeeze3A_116 = vector.extract %slice3A_115[0] : f32 from vector<1xf32>
    %slice3A_117 = vector.extract_strided_slice %add3A_60 {offsets = [5], sizes = [1], strides = [1]} : vector<16xf32> to vector<1xf32>
    %squeeze3A_118 = vector.extract %slice3A_117[0] : f32 from vector<1xf32>
    %slice3A_119 = vector.extract_strided_slice %add3A_60 {offsets = [6], sizes = [1], strides = [1]} : vector<16xf32> to vector<1xf32>
    %squeeze3A_120 = vector.extract %slice3A_119[0] : f32 from vector<1xf32>
    %slice3A_121 = vector.extract_strided_slice %add3A_60 {offsets = [7], sizes = [1], strides = [1]} : vector<16xf32> to vector<1xf32>
    %squeeze3A_122 = vector.extract %slice3A_121[0] : f32 from vector<1xf32>
    %slice3A_123 = vector.extract_strided_slice %add3A_60 {offsets = [8], sizes = [1], strides = [1]} : vector<16xf32> to vector<1xf32>
    %squeeze3A_124 = vector.extract %slice3A_123[0] : f32 from vector<1xf32>
    %slice3A_125 = vector.extract_strided_slice %add3A_60 {offsets = [9], sizes = [1], strides = [1]} : vector<16xf32> to vector<1xf32>
    %squeeze3A_126 = vector.extract %slice3A_125[0] : f32 from vector<1xf32>
    %slice3A_127 = vector.extract_strided_slice %add3A_60 {offsets = [10], sizes = [1], strides = [1]} : vector<16xf32> to vector<1xf32>
    %squeeze3A_128 = vector.extract %slice3A_127[0] : f32 from vector<1xf32>
    %slice3A_129 = vector.extract_strided_slice %add3A_60 {offsets = [11], sizes = [1], strides = [1]} : vector<16xf32> to vector<1xf32>
    %squeeze3A_130 = vector.extract %slice3A_129[0] : f32 from vector<1xf32>
    %slice3A_131 = vector.extract_strided_slice %add3A_60 {offsets = [12], sizes = [1], strides = [1]} : vector<16xf32> to vector<1xf32>
    %squeeze3A_132 = vector.extract %slice3A_131[0] : f32 from vector<1xf32>
    %slice3A_133 = vector.extract_strided_slice %add3A_60 {offsets = [13], sizes = [1], strides = [1]} : vector<16xf32> to vector<1xf32>
    %squeeze3A_134 = vector.extract %slice3A_133[0] : f32 from vector<1xf32>
    %slice3A_135 = vector.extract_strided_slice %add3A_60 {offsets = [14], sizes = [1], strides = [1]} : vector<16xf32> to vector<1xf32>
    %squeeze3A_136 = vector.extract %slice3A_135[0] : f32 from vector<1xf32>
    %slice3A_137 = vector.extract_strided_slice %add3A_60 {offsets = [15], sizes = [1], strides = [1]} : vector<16xf32> to vector<1xf32>
    %squeeze3A_138 = vector.extract %slice3A_137[0] : f32 from vector<1xf32>
    %add3A_139 = arith.addf %squeeze3A_108, %squeeze3A_110 : f32
    %add3A_140 = arith.addf %squeeze3A_112, %squeeze3A_114 : f32
    %add3A_141 = arith.addf %squeeze3A_116, %squeeze3A_118 : f32
    %add3A_142 = arith.addf %squeeze3A_120, %squeeze3A_122 : f32
    %add3A_143 = arith.addf %squeeze3A_124, %squeeze3A_126 : f32
    %add3A_144 = arith.addf %squeeze3A_128, %squeeze3A_130 : f32
    %add3A_145 = arith.addf %squeeze3A_132, %squeeze3A_134 : f32
    %add3A_146 = arith.addf %squeeze3A_136, %squeeze3A_138 : f32
    %add3A_147 = arith.addf %add3A_139, %add3A_140 : f32
    %add3A_148 = arith.addf %add3A_141, %add3A_142 : f32
    %add3A_149 = arith.addf %add3A_143, %add3A_144 : f32
    %add3A_150 = arith.addf %add3A_145, %add3A_146 : f32
    %add3A_151 = arith.addf %add3A_147, %add3A_148 : f32
    %add3A_152 = arith.addf %add3A_149, %add3A_150 : f32
    %add3A_153 = arith.addf %add3A_151, %add3A_152 : f32
    %eq3A_154 = arith.cmpf oeq, %max3A_58, %broadcast_in_dim3A_106 : vector<16xf32>
    %jit3A = arith.constant 1.000000e+09 : f32
    %broadcast_in_dim3A_155 = vector.broadcast %jit3A : f32 to vector<16xf32>
    %select_n3A_156 = arith.select %eq3A_154, %select_n3A_57, %broadcast_in_dim3A_155 : vector<16xi1>, vector<16xf32>
    %slice3A_157 = vector.extract_strided_slice %select_n3A_156 {offsets = [0], sizes = [1], strides = [1]} : vector<16xf32> to vector<1xf32>
    %squeeze3A_158 = vector.extract %slice3A_157[0] : f32 from vector<1xf32>
    %slice3A_159 = vector.extract_strided_slice %select_n3A_156 {offsets = [1], sizes = [1], strides = [1]} : vector<16xf32> to vector<1xf32>
    %squeeze3A_160 = vector.extract %slice3A_159[0] : f32 from vector<1xf32>
    %slice3A_161 = vector.extract_strided_slice %select_n3A_156 {offsets = [2], sizes = [1], strides = [1]} : vector<16xf32> to vector<1xf32>
    %squeeze3A_162 = vector.extract %slice3A_161[0] : f32 from vector<1xf32>
    %slice3A_163 = vector.extract_strided_slice %select_n3A_156 {offsets = [3], sizes = [1], strides = [1]} : vector<16xf32> to vector<1xf32>
    %squeeze3A_164 = vector.extract %slice3A_163[0] : f32 from vector<1xf32>
    %slice3A_165 = vector.extract_strided_slice %select_n3A_156 {offsets = [4], sizes = [1], strides = [1]} : vector<16xf32> to vector<1xf32>
    %squeeze3A_166 = vector.extract %slice3A_165[0] : f32 from vector<1xf32>
    %slice3A_167 = vector.extract_strided_slice %select_n3A_156 {offsets = [5], sizes = [1], strides = [1]} : vector<16xf32> to vector<1xf32>
    %squeeze3A_168 = vector.extract %slice3A_167[0] : f32 from vector<1xf32>
    %slice3A_169 = vector.extract_strided_slice %select_n3A_156 {offsets = [6], sizes = [1], strides = [1]} : vector<16xf32> to vector<1xf32>
    %squeeze3A_170 = vector.extract %slice3A_169[0] : f32 from vector<1xf32>
    %slice3A_171 = vector.extract_strided_slice %select_n3A_156 {offsets = [7], sizes = [1], strides = [1]} : vector<16xf32> to vector<1xf32>
    %squeeze3A_172 = vector.extract %slice3A_171[0] : f32 from vector<1xf32>
    %slice3A_173 = vector.extract_strided_slice %select_n3A_156 {offsets = [8], sizes = [1], strides = [1]} : vector<16xf32> to vector<1xf32>
    %squeeze3A_174 = vector.extract %slice3A_173[0] : f32 from vector<1xf32>
    %slice3A_175 = vector.extract_strided_slice %select_n3A_156 {offsets = [9], sizes = [1], strides = [1]} : vector<16xf32> to vector<1xf32>
    %squeeze3A_176 = vector.extract %slice3A_175[0] : f32 from vector<1xf32>
    %slice3A_177 = vector.extract_strided_slice %select_n3A_156 {offsets = [10], sizes = [1], strides = [1]} : vector<16xf32> to vector<1xf32>
    %squeeze3A_178 = vector.extract %slice3A_177[0] : f32 from vector<1xf32>
    %slice3A_179 = vector.extract_strided_slice %select_n3A_156 {offsets = [11], sizes = [1], strides = [1]} : vector<16xf32> to vector<1xf32>
    %squeeze3A_180 = vector.extract %slice3A_179[0] : f32 from vector<1xf32>
    %slice3A_181 = vector.extract_strided_slice %select_n3A_156 {offsets = [12], sizes = [1], strides = [1]} : vector<16xf32> to vector<1xf32>
    %squeeze3A_182 = vector.extract %slice3A_181[0] : f32 from vector<1xf32>
    %slice3A_183 = vector.extract_strided_slice %select_n3A_156 {offsets = [13], sizes = [1], strides = [1]} : vector<16xf32> to vector<1xf32>
    %squeeze3A_184 = vector.extract %slice3A_183[0] : f32 from vector<1xf32>
    %slice3A_185 = vector.extract_strided_slice %select_n3A_156 {offsets = [14], sizes = [1], strides = [1]} : vector<16xf32> to vector<1xf32>
    %squeeze3A_186 = vector.extract %slice3A_185[0] : f32 from vector<1xf32>
    %slice3A_187 = vector.extract_strided_slice %select_n3A_156 {offsets = [15], sizes = [1], strides = [1]} : vector<16xf32> to vector<1xf32>
    %squeeze3A_188 = vector.extract %slice3A_187[0] : f32 from vector<1xf32>
    %min3A_189 = arith.minimumf %squeeze3A_158, %squeeze3A_160 : f32
    %min3A_190 = arith.minimumf %squeeze3A_162, %squeeze3A_164 : f32
    %min3A_191 = arith.minimumf %squeeze3A_166, %squeeze3A_168 : f32
    %min3A_192 = arith.minimumf %squeeze3A_170, %squeeze3A_172 : f32
    %min3A_193 = arith.minimumf %squeeze3A_174, %squeeze3A_176 : f32
    %min3A_194 = arith.minimumf %squeeze3A_178, %squeeze3A_180 : f32
    %min3A_195 = arith.minimumf %squeeze3A_182, %squeeze3A_184 : f32
    %min3A_196 = arith.minimumf %squeeze3A_186, %squeeze3A_188 : f32
    %min3A_197 = arith.minimumf %min3A_189, %min3A_190 : f32
    %min3A_198 = arith.minimumf %min3A_191, %min3A_192 : f32
    %min3A_199 = arith.minimumf %min3A_193, %min3A_194 : f32
    %min3A_200 = arith.minimumf %min3A_195, %min3A_196 : f32
    %min3A_201 = arith.minimumf %min3A_197, %min3A_198 : f32
    %min3A_202 = arith.minimumf %min3A_199, %min3A_200 : f32
    %min3A_203 = arith.minimumf %min3A_201, %min3A_202 : f32
    %swap3A_204 = arith.constant 0 : i32
    %swap3A_205 = arith.index_cast %swap3A_204 : i32 to index
    %swap3A_206 = arith.constant 0 : index
    %swap3A_207 = tpu.vector_load %arg6[%swap3A_205, %swap3A_206] {strides = array<i32>} : memref<3x16xf32, #tpu.memory_space<vmem>>, vector<1x16xf32>,
    %swap3A_208 = vector.shape_cast %swap3A_207 : vector<1x16xf32> to vector<16xf32>
    %swap3A_209 = vector.shape_cast %broadcast_in_dim3A_106 : vector<16xf32> to vector<1x16xf32>
    tpu.vector_store %arg6[%swap3A_205, %swap3A_206], %swap3A_209 {strides = array<i32>} : memref<3x16xf32, #tpu.memory_space<vmem>>, vector<1x16xf32>,
    %broadcast_in_dim3A_210 = vector.broadcast %add3A_153 : f32 to vector<16xf32>
    %swap3A_211 = arith.constant 1 : i32
    %swap3A_212 = arith.index_cast %swap3A_211 : i32 to index
    %swap3A_213 = arith.constant 0 : index
    %swap3A_214 = tpu.vector_load %arg6[%swap3A_212, %swap3A_213] {strides = array<i32>} : memref<3x16xf32, #tpu.memory_space<vmem>>, vector<1x16xf32>,
    %swap3A_215 = vector.shape_cast %swap3A_214 : vector<1x16xf32> to vector<16xf32>
    %swap3A_216 = vector.shape_cast %broadcast_in_dim3A_210 : vector<16xf32> to vector<1x16xf32>
    tpu.vector_store %arg6[%swap3A_212, %swap3A_213], %swap3A_216 {strides = array<i32>} : memref<3x16xf32, #tpu.memory_space<vmem>>, vector<1x16xf32>,
    %broadcast_in_dim3A_217 = vector.broadcast %min3A_203 : f32 to vector<16xf32>
    %swap3A_218 = arith.constant 2 : i32
    %swap3A_219 = arith.index_cast %swap3A_218 : i32 to index
    %swap3A_220 = arith.constant 0 : index
    %swap3A_221 = tpu.vector_load %arg6[%swap3A_219, %swap3A_220] {strides = array<i32>} : memref<3x16xf32, #tpu.memory_space<vmem>>, vector<1x16xf32>,
    %swap3A_222 = vector.shape_cast %swap3A_221 : vector<1x16xf32> to vector<16xf32>
    %swap3A_223 = vector.shape_cast %broadcast_in_dim3A_217 : vector<16xf32> to vector<1x16xf32>
    tpu.vector_store %arg6[%swap3A_219, %swap3A_220], %swap3A_223 {strides = array<i32>} : memref<3x16xf32, #tpu.memory_space<vmem>>, vector<1x16xf32>,
    %dma_start3A_224 = arith.constant 0 : i32
    %dma_start3A_225 = arith.constant 0 : i32
    %dma_start3A_226 = tpu.memref_slice %arg10[%arg1, %dma_start3A_224, %dma_start3A_225] : memref<16x3x16xf32, #tpu.memory_space<vmem_shared>> -> memref<1x3x16xf32, #tpu.memory_space<vmem_shared>>
    %dma_start3A_227 = tpu.memref_squeeze %dma_start3A_226 : memref<1x3x16xf32, #tpu.memory_space<vmem_shared>> -> memref<3x16xf32, #tpu.memory_space<vmem_shared>>
    %dma_start3A_228 = arith.constant 0 : i32
    %dma_start3A_229 = arith.constant 0 : i32
    %dma_start3A_230 = tpu.memref_slice %arg10[%arg1, %dma_start3A_228, %dma_start3A_229] : memref<16x3x16xf32, #tpu.memory_space<vmem_shared>> -> memref<1x3x16xf32, #tpu.memory_space<vmem_shared>>
    %dma_start3A_231 = tpu.memref_squeeze %dma_start3A_230 : memref<1x3x16xf32, #tpu.memory_space<vmem_shared>> -> memref<3x16xf32, #tpu.memory_space<vmem_shared>>
    tpu.enqueue_dma source(%arg6 : memref<3x16xf32, #tpu.memory_space<vmem>>) target(%dma_start3A_231 : memref<3x16xf32, #tpu.memory_space<vmem_shared>>) target_semaphore(%arg13 : memref<!tpu.dma_semaphore, #tpu.memory_space<semaphore_mem>>)
    %scan3A_232 = arith.constant 0 : i32
    %scan3A_233 = arith.constant 16 : i32
    %scan3A_234 = arith.constant 16 : i32
    %scan3A_235 = arith.addi %scan3A_233, %scan3A_234 : i32
    %scan3A_236 = arith.constant 1 : i32
    %scan3A_237 = scf.for %scan3A_337 = %scan3A_233 to %scan3A_235 step %scan3A_236 iter_args(%scan3A_338 = %scan3A_232) -> (i32)  : i32 {
      %mul3A_339 = arith.constant 4 : i32
      %mul3A_340 = arith.muli %scan3A_337, %mul3A_339 : i32
      %add3A_341 = arith.constant 0 : i32
      %add3A_342 = arith.addi %mul3A_340, %add3A_341 : i32
      %mul3A_343 = arith.constant 16 : i32
      %mul3A_344 = arith.muli %add3A_342, %mul3A_343 : i32
      %swap3A_345 = arith.index_cast %mul3A_344 : i32 to index
      %swap3A_346 = tpu.vector_load %arg8[%swap3A_345] {strides = array<i32>} : memref<2080xf32, #tpu.memory_space<vmem>>, vector<16xf32>,
      %swap3A_347 = vector.shape_cast %swap3A_346 : vector<16xf32> to vector<16xf32>
      %swap3A_348 = vector.shape_cast %broadcast_in_dim3A_2 : vector<16xf32> to vector<16xf32>
      tpu.vector_store %arg8[%swap3A_345], %swap3A_348 {strides = array<i32>} : memref<2080xf32, #tpu.memory_space<vmem>>, vector<16xf32>,
      %mul3A_349 = arith.constant 4 : i32
      %mul3A_350 = arith.muli %scan3A_337, %mul3A_349 : i32
      %add3A_351 = arith.constant 1 : i32
      %add3A_352 = arith.addi %mul3A_350, %add3A_351 : i32
      %mul3A_353 = arith.constant 16 : i32
      %mul3A_354 = arith.muli %add3A_352, %mul3A_353 : i32
      %swap3A_355 = arith.index_cast %mul3A_354 : i32 to index
      %swap3A_356 = tpu.vector_load %arg8[%swap3A_355] {strides = array<i32>} : memref<2080xf32, #tpu.memory_space<vmem>>, vector<16xf32>,
      %swap3A_357 = vector.shape_cast %swap3A_356 : vector<16xf32> to vector<16xf32>
      %swap3A_358 = vector.shape_cast %broadcast_in_dim3A_2 : vector<16xf32> to vector<16xf32>
      tpu.vector_store %arg8[%swap3A_355], %swap3A_358 {strides = array<i32>} : memref<2080xf32, #tpu.memory_space<vmem>>, vector<16xf32>,
      %mul3A_359 = arith.constant 4 : i32
      %mul3A_360 = arith.muli %scan3A_337, %mul3A_359 : i32
      %add3A_361 = arith.constant 2 : i32
      %add3A_362 = arith.addi %mul3A_360, %add3A_361 : i32
      %mul3A_363 = arith.constant 16 : i32
      %mul3A_364 = arith.muli %add3A_362, %mul3A_363 : i32
      %swap3A_365 = arith.index_cast %mul3A_364 : i32 to index
      %swap3A_366 = tpu.vector_load %arg8[%swap3A_365] {strides = array<i32>} : memref<2080xf32, #tpu.memory_space<vmem>>, vector<16xf32>,
      %swap3A_367 = vector.shape_cast %swap3A_366 : vector<16xf32> to vector<16xf32>
      %swap3A_368 = vector.shape_cast %broadcast_in_dim3A_2 : vector<16xf32> to vector<16xf32>
      tpu.vector_store %arg8[%swap3A_365], %swap3A_368 {strides = array<i32>} : memref<2080xf32, #tpu.memory_space<vmem>>, vector<16xf32>,
      %mul3A_369 = arith.constant 4 : i32
      %mul3A_370 = arith.muli %scan3A_337, %mul3A_369 : i32
      %add3A_371 = arith.constant 3 : i32
      %add3A_372 = arith.addi %mul3A_370, %add3A_371 : i32
      %mul3A_373 = arith.constant 16 : i32
      %mul3A_374 = arith.muli %add3A_372, %mul3A_373 : i32
      %swap3A_375 = arith.index_cast %mul3A_374 : i32 to index
      %swap3A_376 = tpu.vector_load %arg8[%swap3A_375] {strides = array<i32>} : memref<2080xf32, #tpu.memory_space<vmem>>, vector<16xf32>,
      %swap3A_377 = vector.shape_cast %swap3A_376 : vector<16xf32> to vector<16xf32>
      %swap3A_378 = vector.shape_cast %broadcast_in_dim3A_2 : vector<16xf32> to vector<16xf32>
      tpu.vector_store %arg8[%swap3A_375], %swap3A_378 {strides = array<i32>} : memref<2080xf32, #tpu.memory_space<vmem>>, vector<16xf32>,
      %scan3A_379 = arith.constant 0 : i32
      scf.yield %scan3A_379 : i32
    }
    %scan3A_238 = arith.constant 16 : i32
    %swap3A_239 = arith.constant 2048 : index
    %swap3A_240 = tpu.vector_load %arg8[%swap3A_239] {strides = array<i32>} : memref<2080xf32, #tpu.memory_space<vmem>>, vector<16xf32>,
    %swap3A_241 = vector.shape_cast %swap3A_240 : vector<16xf32> to vector<16xf32>
    %swap3A_242 = vector.shape_cast %broadcast_in_dim3A_2 : vector<16xf32> to vector<16xf32>
    tpu.vector_store %arg8[%swap3A_239], %swap3A_242 {strides = array<i32>} : memref<2080xf32, #tpu.memory_space<vmem>>, vector<16xf32>,
    %swap3A_243 = arith.constant 2064 : index
    %swap3A_244 = tpu.vector_load %arg8[%swap3A_243] {strides = array<i32>} : memref<2080xf32, #tpu.memory_space<vmem>>, vector<16xf32>,
    %swap3A_245 = vector.shape_cast %swap3A_244 : vector<16xf32> to vector<16xf32>
    %swap3A_246 = vector.shape_cast %broadcast_in_dim3A_2 : vector<16xf32> to vector<16xf32>
    tpu.vector_store %arg8[%swap3A_243], %swap3A_246 {strides = array<i32>} : memref<2080xf32, #tpu.memory_space<vmem>>, vector<16xf32>,
    %dma_wait3A_247 = arith.constant 0 : i32
    %dma_wait3A_248 = arith.constant 0 : i32
    %dma_wait3A_249 = tpu.memref_slice %arg10[%arg1, %dma_wait3A_247, %dma_wait3A_248] : memref<16x3x16xf32, #tpu.memory_space<vmem_shared>> -> memref<1x3x16xf32, #tpu.memory_space<vmem_shared>>
    %dma_wait3A_250 = tpu.memref_squeeze %dma_wait3A_249 : memref<1x3x16xf32, #tpu.memory_space<vmem_shared>> -> memref<3x16xf32, #tpu.memory_space<vmem_shared>>
    %dma_wait3A_251 = arith.constant 0 : i32
    %dma_wait3A_252 = arith.constant 0 : i32
    %dma_wait3A_253 = tpu.memref_slice %arg10[%arg1, %dma_wait3A_251, %dma_wait3A_252] : memref<16x3x16xf32, #tpu.memory_space<vmem_shared>> -> memref<1x3x16xf32, #tpu.memory_space<vmem_shared>>
    %dma_wait3A_254 = tpu.memref_squeeze %dma_wait3A_253 : memref<1x3x16xf32, #tpu.memory_space<vmem_shared>> -> memref<3x16xf32, #tpu.memory_space<vmem_shared>>
    tpu.wait_dma2 semaphore(%arg13 : memref<!tpu.dma_semaphore, #tpu.memory_space<semaphore_mem>>) src(%arg6 : memref<3x16xf32, #tpu.memory_space<vmem>>) dst(%dma_wait3A_254 : memref<3x16xf32, #tpu.memory_space<vmem_shared>>)
    %barrier3A = arith.constant 0 : index
    tpu.barrier barrier_id(%barrier3A)
    "tpu.region"() ({
      %run_scoped3A = tpu.sem_alloc : memref<!tpu.dma_semaphore, #tpu.memory_space<semaphore_mem>>
      tpu.enqueue_dma source(%arg10 : memref<16x3x16xf32, #tpu.memory_space<vmem_shared>>) target(%arg7 : memref<16x3x16xf32, #tpu.memory_space<vmem>>) target_semaphore(%run_scoped3A : memref<!tpu.dma_semaphore, #tpu.memory_space<semaphore_mem>>)
      tpu.wait_dma2 semaphore(%run_scoped3A : memref<!tpu.dma_semaphore, #tpu.memory_space<semaphore_mem>>) src(%arg10 : memref<16x3x16xf32, #tpu.memory_space<vmem_shared>>) dst(%arg7 : memref<16x3x16xf32, #tpu.memory_space<vmem>>)
      tpu.yield
    }) : () -> ()
    %broadcast_in_dim3A_255 = arith.constant -1.000000e+00 : f32
    %broadcast_in_dim3A_256 = vector.broadcast %broadcast_in_dim3A_255 : f32 to vector<16xf32>
    %broadcast_in_dim3A_257 = arith.constant 0.000000e+00 : f32
    %broadcast_in_dim3A_258 = vector.broadcast %broadcast_in_dim3A_257 : f32 to vector<16xf32>
    %broadcast_in_dim3A_259 = arith.constant 0.000000e+00 : f32
    %broadcast_in_dim3A_260 = vector.broadcast %broadcast_in_dim3A_259 : f32 to vector<16xf32>
    %scan3A_261 = arith.constant 0 : i32
    %scan3A_262 = arith.constant 16 : i32
    %scan3A_263 = arith.addi %scan3A_261, %scan3A_262 : i32
    %scan3A_264 = arith.constant 1 : i32
    %scan3A_265:3 = scf.for %scan3A_337 = %scan3A_261 to %scan3A_263 step %scan3A_264 iter_args(%scan3A_338 = %broadcast_in_dim3A_256, %scan3A_339 = %broadcast_in_dim3A_258, %scan3A_340 = %broadcast_in_dim3A_260) -> (vector<16xf32>, vector<16xf32>, vector<16xf32>)  : i32 {
      %get3A = arith.constant 0 : i32
      %get3A_341 = arith.index_cast %scan3A_337 : i32 to index
      %get3A_342 = arith.index_cast %get3A : i32 to index
      %get3A_343 = arith.constant 0 : index
      %get3A_344 = tpu.vector_load %arg7[%get3A_341, %get3A_342, %get3A_343] {strides = array<i32>} : memref<16x3x16xf32, #tpu.memory_space<vmem>>, vector<1x1x16xf32>,
      %get3A_345 = vector.shape_cast %get3A_344 : vector<1x1x16xf32> to vector<16xf32>
      %gt3A_346 = arith.cmpf ogt, %get3A_345, %scan3A_338 : vector<16xf32>
      %eq3A_347 = arith.cmpf oeq, %get3A_345, %scan3A_338 : vector<16xf32>
      %get3A_348 = arith.constant 2 : i32
      %get3A_349 = arith.index_cast %scan3A_337 : i32 to index
      %get3A_350 = arith.index_cast %get3A_348 : i32 to index
      %get3A_351 = arith.constant 0 : index
      %get3A_352 = tpu.vector_load %arg7[%get3A_349, %get3A_350, %get3A_351] {strides = array<i32>} : memref<16x3x16xf32, #tpu.memory_space<vmem>>, vector<1x1x16xf32>,
      %get3A_353 = vector.shape_cast %get3A_352 : vector<1x1x16xf32> to vector<16xf32>
      %min3A_354 = arith.minimumf %scan3A_340, %get3A_353 : vector<16xf32>
      %select_n3A_355 = arith.select %eq3A_347, %min3A_354, %scan3A_340 : vector<16xi1>, vector<16xf32>
      %select_n3A_356 = arith.select %gt3A_346, %get3A_353, %select_n3A_355 : vector<16xi1>, vector<16xf32>
      %max3A_357 = arith.maximumf %scan3A_338, %get3A_345 : vector<16xf32>
      %get3A_358 = arith.constant 1 : i32
      %get3A_359 = arith.index_cast %scan3A_337 : i32 to index
      %get3A_360 = arith.index_cast %get3A_358 : i32 to index
      %get3A_361 = arith.constant 0 : index
      %get3A_362 = tpu.vector_load %arg7[%get3A_359, %get3A_360, %get3A_361] {strides = array<i32>} : memref<16x3x16xf32, #tpu.memory_space<vmem>>, vector<1x1x16xf32>,
      %get3A_363 = vector.shape_cast %get3A_362 : vector<1x1x16xf32> to vector<16xf32>
      %add3A_364 = arith.addf %scan3A_339, %get3A_363 : vector<16xf32>
      scf.yield %max3A_357, %add3A_364, %select_n3A_356 : vector<16xf32>, vector<16xf32>, vector<16xf32>
    }
    %scan3A_266 = arith.constant 16 : i32
    %div3A = arith.divf %scan3A_265#0, %scan3A_265#1 : vector<16xf32>
    %slice3A_267 = vector.extract_strided_slice %scan3A_265#2 {offsets = [0], sizes = [1], strides = [1]} : vector<16xf32> to vector<1xf32>
    %squeeze3A_268 = vector.extract %slice3A_267[0] : f32 from vector<1xf32>
    %convert_element_type3A_269 = arith.fptosi %squeeze3A_268 : f32 to i32
    %mul3A_270 = arith.constant 2048 : i32
    %mul3A_271 = arith.muli %arg1, %mul3A_270 : i32
    %max3A_272 = arith.maxsi %convert_element_type3A_269, %mul3A_271 : i32
    %add3A_273 = arith.constant 1024 : i32
    %add3A_274 = arith.addi %convert_element_type3A_269, %add3A_273 : i32
    %add3A_275 = arith.constant 2048 : i32
    %add3A_276 = arith.addi %mul3A_271, %add3A_275 : i32
    %min3A_277 = arith.minsi %add3A_274, %add3A_276 : i32
    %lt3A = arith.cmpi slt, %max3A_272, %min3A_277 : i32
    %sub3A = arith.subi %max3A_272, %convert_element_type3A_269 : i32
    %jit3A_278 = arith.constant 16 : i32
    %div3A_279 = arith.divsi %sub3A, %jit3A_278 : i32
    %sign3A = arith.constant 0 : i32
    %sign3A_280 = arith.cmpi sgt, %sub3A, %sign3A : i32
    %sign3A_281 = arith.extui %sign3A_280 : i1 to i32
    %sign3A_282 = arith.constant 0 : i32
    %sign3A_283 = arith.cmpi slt, %sub3A, %sign3A_282 : i32
    %sign3A_284 = arith.extui %sign3A_283 : i1 to i32
    %sign3A_285 = arith.subi %sign3A_281, %sign3A_284 : i32
    %sign3A_286 = arith.constant 0 : i32
    %sign3A_287 = arith.cmpi sgt, %jit3A_278, %sign3A_286 : i32
    %sign3A_288 = arith.extui %sign3A_287 : i1 to i32
    %sign3A_289 = arith.constant 0 : i32
    %sign3A_290 = arith.cmpi slt, %jit3A_278, %sign3A_289 : i32
    %sign3A_291 = arith.extui %sign3A_290 : i1 to i32
    %sign3A_292 = arith.subi %sign3A_288, %sign3A_291 : i32
    %ne3A = arith.cmpi ne, %sign3A_285, %sign3A_292 : i32
    %rem3A = arith.remsi %sub3A, %jit3A_278 : i32
    %ne3A_293 = arith.constant 0 : i32
    %ne3A_294 = arith.cmpi ne, %rem3A, %ne3A_293 : i32
    %and3A = arith.andi %ne3A, %ne3A_294 : i1
    %sub3A_295 = arith.constant 1 : i32
    %sub3A_296 = arith.subi %div3A_279, %sub3A_295 : i32
    %select_n3A_297 = arith.select %and3A, %sub3A_296, %div3A_279 : i32
    %jit3A_298 = arith.constant 0 : i32
    %select_n3A_299 = arith.select %lt3A, %select_n3A_297, %jit3A_298 : i32
    %sub3A_300 = arith.subi %min3A_277, %convert_element_type3A_269 : i32
    %add3A_301 = arith.constant 15 : i32
    %add3A_302 = arith.addi %sub3A_300, %add3A_301 : i32
    %jit3A_303 = arith.constant 16 : i32
    %div3A_304 = arith.divsi %add3A_302, %jit3A_303 : i32
    %sign3A_305 = arith.constant 0 : i32
    %sign3A_306 = arith.cmpi sgt, %add3A_302, %sign3A_305 : i32
    %sign3A_307 = arith.extui %sign3A_306 : i1 to i32
    %sign3A_308 = arith.constant 0 : i32
    %sign3A_309 = arith.cmpi slt, %add3A_302, %sign3A_308 : i32
    %sign3A_310 = arith.extui %sign3A_309 : i1 to i32
    %sign3A_311 = arith.subi %sign3A_307, %sign3A_310 : i32
    %sign3A_312 = arith.constant 0 : i32
    %sign3A_313 = arith.cmpi sgt, %jit3A_303, %sign3A_312 : i32
    %sign3A_314 = arith.extui %sign3A_313 : i1 to i32
    %sign3A_315 = arith.constant 0 : i32
    %sign3A_316 = arith.cmpi slt, %jit3A_303, %sign3A_315 : i32
    %sign3A_317 = arith.extui %sign3A_316 : i1 to i32
    %sign3A_318 = arith.subi %sign3A_314, %sign3A_317 : i32
    %ne3A_319 = arith.cmpi ne, %sign3A_311, %sign3A_318 : i32
    %rem3A_320 = arith.remsi %add3A_302, %jit3A_303 : i32
    %ne3A_321 = arith.constant 0 : i32
    %ne3A_322 = arith.cmpi ne, %rem3A_320, %ne3A_321 : i32
    %and3A_323 = arith.andi %ne3A_319, %ne3A_322 : i1
    %sub3A_324 = arith.constant 1 : i32
    %sub3A_325 = arith.subi %div3A_304, %sub3A_324 : i32
    %select_n3A_326 = arith.select %and3A_323, %sub3A_325, %div3A_304 : i32
    %jit3A_327 = arith.constant 0 : i32
    %select_n3A_328 = arith.select %lt3A, %select_n3A_326, %jit3A_327 : i32
    tpu.wait_dma2 semaphore(%arg12 : memref<!tpu.dma_semaphore, #tpu.memory_space<semaphore_mem>>) src(%arg3 : memref<1024xf32, #tpu.memory_space<hbm>>) dst(%arg9 : memref<1024xf32, #tpu.memory_space<vmem>>)
    %while3A = arith.constant 0 : i32
    %while3A_329 = arith.subi %select_n3A_328, %select_n3A_299 : i32
    %while3A_330 = arith.addi %select_n3A_299, %while3A_329 : i32
    %while3A_331 = arith.constant 1 : i32
    %while3A_332 = arith.divsi %while3A_329, %while3A_331 : i32
    %while3A_333 = arith.muli %while3A_332, %while3A_331 : i32
    %while3A_334 = arith.addi %select_n3A_299, %while3A_333 : i32
    %while3A_335 = arith.constant 1 : i32
    scf.for %while3A_337 = %select_n3A_299 to %while3A_334 step %while3A_335  : i32 {
      %mul3A_338 = arith.constant 16 : i32
      %mul3A_339 = arith.muli %while3A_337, %mul3A_338 : i32
      %add3A_340 = arith.addi %convert_element_type3A_269, %mul3A_339 : i32
      %sub3A_341 = arith.subi %add3A_340, %mul3A_271 : i32
      %add3A_342 = arith.constant 16 : i32
      %add3A_343 = arith.addi %sub3A_341, %add3A_342 : i32
      %mul3A_344 = arith.constant 16 : i32
      %mul3A_345 = arith.muli %while3A_337, %mul3A_344 : i32
      %get3A = arith.index_cast %mul3A_345 : i32 to index
      %get3A_346 = tpu.vector_load %arg9[%get3A] {strides = array<i32>} : memref<1024xf32, #tpu.memory_space<vmem>>, vector<16xf32>,
      %get3A_347 = vector.shape_cast %get3A_346 : vector<16xf32> to vector<16xf32>
      %mul3A_348 = arith.mulf %div3A, %get3A_347 : vector<16xf32>
      %swap3A_349 = arith.index_cast %add3A_343 : i32 to index
      %swap3A_350 = tpu.vector_load %arg8[%swap3A_349] {strides = array<i32>} : memref<2080xf32, #tpu.memory_space<vmem>>, vector<16xf32>,
      %swap3A_351 = vector.shape_cast %swap3A_350 : vector<16xf32> to vector<16xf32>
      %swap3A_352 = vector.shape_cast %mul3A_348 : vector<16xf32> to vector<16xf32>
      tpu.vector_store %arg8[%swap3A_349], %swap3A_352 {strides = array<i32>} : memref<2080xf32, #tpu.memory_space<vmem>>, vector<16xf32>,
    }
    %while3A_336 = arith.constant 1 : i32
    scf.for %while3A_337 = %while3A_334 to %while3A_330 step %while3A_336  : i32 {
      %mul3A_338 = arith.constant 16 : i32
      %mul3A_339 = arith.muli %while3A_337, %mul3A_338 : i32
      %add3A_340 = arith.addi %convert_element_type3A_269, %mul3A_339 : i32
      %sub3A_341 = arith.subi %add3A_340, %mul3A_271 : i32
      %add3A_342 = arith.constant 16 : i32
      %add3A_343 = arith.addi %sub3A_341, %add3A_342 : i32
      %mul3A_344 = arith.constant 16 : i32
      %mul3A_345 = arith.muli %while3A_337, %mul3A_344 : i32
      %get3A = arith.index_cast %mul3A_345 : i32 to index
      %get3A_346 = tpu.vector_load %arg9[%get3A] {strides = array<i32>} : memref<1024xf32, #tpu.memory_space<vmem>>, vector<16xf32>,
      %get3A_347 = vector.shape_cast %get3A_346 : vector<16xf32> to vector<16xf32>
      %mul3A_348 = arith.mulf %div3A, %get3A_347 : vector<16xf32>
      %swap3A_349 = arith.index_cast %add3A_343 : i32 to index
      %swap3A_350 = tpu.vector_load %arg8[%swap3A_349] {strides = array<i32>} : memref<2080xf32, #tpu.memory_space<vmem>>, vector<16xf32>,
      %swap3A_351 = vector.shape_cast %swap3A_350 : vector<16xf32> to vector<16xf32>
      %swap3A_352 = vector.shape_cast %mul3A_348 : vector<16xf32> to vector<16xf32>
      tpu.vector_store %arg8[%swap3A_349], %swap3A_352 {strides = array<i32>} : memref<2080xf32, #tpu.memory_space<vmem>>, vector<16xf32>,
    }
    "tpu.region"() ({
      %run_scoped3A = tpu.sem_alloc : memref<!tpu.dma_semaphore, #tpu.memory_space<semaphore_mem>>
      %dma_start3A_337 = arith.constant 16 : i32
      %dma_start3A_338 = tpu.memref_slice %arg8[%dma_start3A_337] : memref<2080xf32, #tpu.memory_space<vmem>> -> memref<2048xf32, #tpu.memory_space<vmem>>
      %dma_start3A_339 = tpu.memref_slice %arg4[%mul3A_271] : memref<32768xf32, #tpu.memory_space<hbm>> -> memref<2048xf32, #tpu.memory_space<hbm>>
      %dma_start3A_340 = tpu.memref_slice %arg4[%mul3A_271] : memref<32768xf32, #tpu.memory_space<hbm>> -> memref<2048xf32, #tpu.memory_space<hbm>>
      %dma_start3A_341 = arith.constant 16 : i32
      %dma_start3A_342 = tpu.memref_slice %arg8[%dma_start3A_341] : memref<2080xf32, #tpu.memory_space<vmem>> -> memref<2048xf32, #tpu.memory_space<vmem>>
      tpu.enqueue_dma source(%dma_start3A_342 : memref<2048xf32, #tpu.memory_space<vmem>>) target(%dma_start3A_340 : memref<2048xf32, #tpu.memory_space<hbm>>) target_semaphore(%run_scoped3A : memref<!tpu.dma_semaphore, #tpu.memory_space<semaphore_mem>>)
      %dma_wait3A_343 = arith.constant 16 : i32
      %dma_wait3A_344 = tpu.memref_slice %arg8[%dma_wait3A_343] : memref<2080xf32, #tpu.memory_space<vmem>> -> memref<2048xf32, #tpu.memory_space<vmem>>
      %dma_wait3A_345 = tpu.memref_slice %arg4[%mul3A_271] : memref<32768xf32, #tpu.memory_space<hbm>> -> memref<2048xf32, #tpu.memory_space<hbm>>
      %dma_wait3A_346 = tpu.memref_slice %arg4[%mul3A_271] : memref<32768xf32, #tpu.memory_space<hbm>> -> memref<2048xf32, #tpu.memory_space<hbm>>
      %dma_wait3A_347 = arith.constant 16 : i32
      %dma_wait3A_348 = tpu.memref_slice %arg8[%dma_wait3A_347] : memref<2080xf32, #tpu.memory_space<vmem>> -> memref<2048xf32, #tpu.memory_space<vmem>>
      tpu.wait_dma2 semaphore(%run_scoped3A : memref<!tpu.dma_semaphore, #tpu.memory_space<semaphore_mem>>) src(%dma_wait3A_348 : memref<2048xf32, #tpu.memory_space<vmem>>) dst(%dma_wait3A_346 : memref<2048xf32, #tpu.memory_space<hbm>>)
      tpu.yield
    }) : () -> ()
    return
  }
}

</mosaic_0001>

<sc_bundles>
// kernel: kernel.3.cloned.1.call-start
scs
__scs_entry_jumppad:
0x0: {  	(pc) =	sbr.rel $0x88, $3  }
0x1: {  	(tag) =	ssettag $0x0;
	lr =	simm.s32 $0x1  }
0x2: {  	[smem:$0x3F9F] =	sst lr;
	_ =	strace $0xD0000000  }
0x3: {  	_ = 	snop  }
0x4: {  	_ = 	snop  }
0x5: {  	_ = 	snop  }
0x6: {  	_ = 	snop  }
0x7: {  	_ = 	snop  }
__scs_overlays_trampoline_lowered:
0x8: {  	[smem:$0x3FAE] =	sst s0  }
0x9: {  	[smem:$0x3FAF] =	sst s1  }
0xa: {  	[smem:$0x3FB0] =	sst s2  }
0xb: {  	[smem:$0x3FB1] =	sst s3  }
0xc: {  	[smem:$0x3FB2] =	sst s4  }
0xd: {  	[smem:$0x3FB3] =	sst s5  }
0xe: {  	[smem:$0x3FB4] =	sst s6  }
0xf: {  	[smem:$0x3FB5] =	sst s7  }
0x10: {  	[smem:$0x3FB6] =	sst s8  }
0x11: {  	[smem:$0x3FB7] =	sst s9;
	s0 =	simm.s32 @!p0 $0x0  }
0x12: {  	s1 =	sld [smem:$0x3F9D];
	s0 =	simm.s32 @p0 $0x1  }
0x13: {  	[smem:$0x3FB8] =	sst s0;
	s0 =	simm.s32 @!p1 $0x0  }
0x14: {  	s2 =	sld [smem:$0x3F9C];
	s0 =	simm.s32 @p1 $0x1  }
0x15: {  	[smem:$0x3FB9] =	sst s0;
	s0 =	simm.s32 @!p2 $0x0  }
0x16: {  	s3 =	sld [smem:$0x3FDB];
	s0 =	simm.s32 @p2 $0x1  }
0x17: {  	s4 =	simm.s32 $0x1BF5;
	[smem:$0x3FBB] =	sst s0  }
0x18: {  	s0 =	sld [smem:$0x3F9E];
	_ =	swait.ge [sflag:s4], $0x0  }
0x19: {  	s7 =	sld [smem:$0x3F9F]  }
0x1a: {  	s8 =	sadd.s32 $0xFFFFE003, lr  }
0x1b: {  	s9 =	sadd.s32 $0xFFFFFEF7, lr;
	s5 =	simm.s32 $0xFFFFFFFF;
	p2 =	slt.u32 s8, $0xFFFFF086  }
0x1c: {  	p1 =	slt.u32 s9, $0xF7A;
	s5 =	simm.s32 @!p2 $0x0  }
0x1d: {  	s5 =	simm.s32 @p1 $0x1;
	p0 =	seq.s32 s7, s2  }
0x1e: {  	s7 =	smul.u32 @!p0 $0xF7A, s2;
	p2 =	seq.s32 @!p0 s5, $0x0  }
0x1f: {  	s9 =	smul.u32 $0xF7A, s1;
	s8 =	simm.s32 @!p0 $0x1BF5;
	p2 =	por !p2, p0  }
0x20: {  	[sflag:s8] =	ssyncset.s32 @!p0 $0xFFFFF086;
	s6 =	sadd.s32 @!p0 s3, s7;
	s7 =	simm.s32 @!p0 $0x108  }
0x21: {  	s3 =	sadd.s32 s3, s9;
	s6 =	sadd.s32 @!p0 $0x88, s6;
	s7 =	simm.s32 @p2 $0x1082  }
0x22: {  	[simem:s7], [sflag:s8] =	dma.local @!p0 [hbm:s6], $0xF7A  }
0x23: {  	s9 =	sor.u32 $0xD0000000, s2;
	s6 =	simm.s32 $0x108;
	_ =	swait.ge @!p0 [sflag:s8], $0x0  }
0x24: {  	s3 =	sadd.s32 $0x88, s3;
	s6 =	simm.s32 @!p1 $0x1082;
	[sflag:s4] =	ssyncset.s32 $0xFFFFF086  }
0x25: {  	[simem:s6], [sflag:s4] =	dma.local [hbm:s3], $0xF7A  }
0x26: {  	[smem:$0x3F9F] =	sst s1;
	(tag) =	ssettag s2;
	_ =	strace s9  }
0x27: {  	s1 =	sld [smem:$0x3FAF]  }
0x28: {  	s2 =	sld [smem:$0x3FB0]  }
0x29: {  	s4 =	sld [smem:$0x3FB2]  }
0x2a: {  	p0 =	seq.s32 s5, $0x0;
	s5 =	sld [smem:$0x3FB3]  }
0x2b: {  	s6 =	sld [smem:$0x3FB4]  }
0x2c: {  	s7 =	sld [smem:$0x3FB5]  }
0x2d: {  	s3 =	simm.s32 $0x108;
	s8 =	sld [smem:$0x3FB6]  }
0x2e: {  	s3 =	simm.s32 @!p0 $0x1082;
	s9 =	sld [smem:$0x3FB7]  }
0x2f: {  	lr =	sadd.s32 s0, s3;
	s0 =	sld [smem:$0x3FAE]  }
0x30: {  	s3 =	sld [smem:$0x3FB1]  }
0x31: {  	[smem:$0x3FBA] =	sst s10  }
0x32: {  	s10 =	sld [smem:$0x3FB8];
	_ =	sdelay $0x3  }
0x33: {  	p0 =	seq.s32 s10, $0x1;
	s10 =	sld [smem:$0x3FBA];
	_ =	sdelay $0x3  }
0x34: {  	[smem:$0x3FBA] =	sst s10  }
0x35: {  	s10 =	sld [smem:$0x3FB9];
	_ =	sdelay $0x3  }
0x36: {  	p1 =	seq.s32 s10, $0x1;
	s10 =	sld [smem:$0x3FBA];
	_ =	sdelay $0x3  }
0x37: {  	[smem:$0x3FBA] =	sst s10  }
0x38: {  	s10 =	sld [smem:$0x3FBB]  }
0x39: {  	_ = 	snop;
	(pc) =	sbr.ind lr, $3  }
0x3a: {  	_ = 	snop  }
0x3b: {  	_ = 	snop  }
0x3c: {  	p2 =	seq.s32 s10, $0x1;
	s10 =	sld [smem:$0x3FBA]  }
0x3d: {  	_ =	shalt  }
0x3e: {  	_ =	shalt  }
0x3f: {  	_ =	shalt  }
0x40: {  	_ =	shalt  }
0x41: {  	_ =	shalt  }
0x42: {  	_ =	shalt  }
0x43: {  	_ =	shalt  }
0x44: {  	_ =	shalt  }
0x45: {  	_ =	shalt  }
0x46: {  	_ =	shalt  }
0x47: {  	_ =	shalt  }
0x48: {  	_ =	shalt  }
0x49: {  	_ =	shalt  }
0x4a: {  	_ =	shalt  }
0x4b: {  	_ =	shalt  }
0x4c: {  	_ =	shalt  }
0x4d: {  	_ =	shalt  }
0x4e: {  	_ =	shalt  }
0x4f: {  	_ =	shalt  }
0x50: {  	_ =	shalt  }
0x51: {  	_ =	shalt  }
0x52: {  	_ =	shalt  }
0x53: {  	_ =	shalt  }
0x54: {  	_ =	shalt  }
0x55: {  	_ =	shalt  }
0x56: {  	_ =	shalt  }
0x57: {  	_ =	shalt  }
0x58: {  	_ =	shalt  }
0x59: {  	_ =	shalt  }
0x5a: {  	_ =	shalt  }
0x5b: {  	_ =	shalt  }
0x5c: {  	_ =	shalt  }
0x5d: {  	_ =	shalt  }
0x5e: {  	_ =	shalt  }
0x5f: {  	_ =	shalt  }
0x60: {  	_ =	shalt  }
0x61: {  	_ =	shalt  }
0x62: {  	_ =	shalt  }
0x63: {  	_ =	shalt  }
0x64: {  	_ =	shalt  }
0x65: {  	_ =	shalt  }
0x66: {  	_ =	shalt  }
0x67: {  	_ =	shalt  }
0x68: {  	_ =	shalt  }
0x69: {  	_ =	shalt  }
0x6a: {  	_ =	shalt  }
0x6b: {  	_ =	shalt  }
0x6c: {  	_ =	shalt  }
0x6d: {  	_ =	shalt  }
0x6e: {  	_ =	shalt  }
0x6f: {  	_ =	shalt  }
0x70: {  	_ =	shalt  }
0x71: {  	_ =	shalt  }
0x72: {  	_ =	shalt  }
0x73: {  	_ =	shalt  }
0x74: {  	_ =	shalt  }
0x75: {  	_ =	shalt  }
0x76: {  	_ =	shalt  }
0x77: {  	_ =	shalt  }
0x78: {  	_ =	shalt  }
0x79: {  	_ =	shalt  }
0x7a: {  	_ =	shalt  }
0x7b: {  	_ =	shalt  }
0x7c: {  	_ =	shalt  }
0x7d: {  	_ =	shalt  }
0x7e: {  	_ =	shalt  }
0x7f: {  	_ =	shalt  }
0x80: {  	_ =	shalt  }
0x81: {  	_ =	shalt  }
0x82: {  	_ =	shalt  }
0x83: {  	_ =	shalt  }
0x84: {  	_ =	shalt  }
0x85: {  	_ =	shalt  }
0x86: {  	_ =	shalt  }
0x87: {  	_ =	shalt  }
.Lfunc_end0:
.L_simem_size_0:
called_computation_lowered:
.L_overlay_start_0:
0x88: {  	s0 =	sld [smem:$0x3FD9]  }
0x89: {  	s1 =	sld [smem:$0x3FFE];
	_ =	sdelay $0x3  }
0x8a: {  	s0 =	sadd.s32 s1, s0  }
0x8b: {  	[smem:$0x3FC6] =	sst s0  }
0x8c: {  	_ = 	snop  }
0x8d: {  	s0 =	sld [smem:$0x3FC9]  }
0x8e: {  	s17 =	sld [smem:$0x3FC8]  }
0x8f: {  	s2 =	sld [smem:$0x3FD0];
	(tm) =	ssettm $0x1  }
0x90: {  	s3 =	sld [smem:$0x3FFB];
	_ =	sdelay $0x3  }
0x91: {  	_ =	strace s3  }
0x92: {  	s3 =	sld [smem:$0x3FFC];
	_ =	sdelay $0x3  }
0x93: {  	_ =	strace s3  }
0x94: {  	s3 =	sld [smem:$0x3FFD];
	_ =	sdelay $0x3  }
0x95: {  	_ =	strace s3  }
0x96: {  	_ =	strace $0x8FFFFFFF  }
0x97: {  	s18 =	sld [smem:$0x3FDB];
	_ =	sdelay $0x1  }
0x98: {  	s4 =	simm.s32 $_scs_section_size  }
0x99: {  	s5 =	simm.s32 $_size__tile_overlayer_lowered;
	s6 =	simm.s32 $_tile_overlayer_lowered  }
0x9a: {  	s21 =	simm.s32 $0x1BFF;
	s20 =	sshll.u32 s6, $0x1;
	s3 =	sadd.s32 s4, s18  }
0x9b: {  	s7 =	simm.s32 $0x0;
	s19 =	sshll.u32 s5, $0x1;
	s5 =	sadd.s32 s20, s3  }
0x9c: {  	[timem:s7], [sflag:s21] =	dma.local [hbm:s5], s19  }
0x9d: {  	_ =	swait.ge [sflag:s21], s19  }
0x9e: {  	s4 =	ssub.s32 $0x0, s19;
	[sflag:s21] =	ssyncset.done $0x0  }
0x9f: {  	[sflag:s21] =	ssyncadd.s32 s4;
	_ =	sdelay $0x1  }
0xa0: {  	s22 =	simm.s32 $0x1B8B  }
0xa1: {  	_ =	swait.ge [sflag:s22], $0x1  }
0xa2: {  	[sflag:s22] =	ssyncset.done $0x0  }
0xa3: {  	s23 =	simm.s32 $0x1B8E;
	[sflag:s22] =	ssyncadd.s32 $0xFFFFFFFF  }
0xa4: {  	s24 =	simm.s32 $execute0_lowered;
	[smem:$0x3FD2] =	sst s23  }
0xa5: {  	s4 =	sshll.u32 s24, $0x1;
	_ =	strace $0x80000046;
	[dreg:$0x1] =	wrdreg $0xFFFFFFFF  }
0xa6: {  	s25 =	simm.s32 $_size_execute0_lowered;
	s3 =	sadd.s32 s3, s4;
	[dreg:$0x0] =	wrdreg $0x0  }
0xa7: {  	s4 =	sshll.u32 s25, $0x1;
	[dreg:$0x2] =	wrdreg s3  }
0xa8: {  	[dreg:$0x3] =	wrdreg s4  }
0xa9: {  	[dreg:$0x4] =	wrdreg $0xC0  }
0xaa: {  	_ =	task [dreg:s7], $0x5FFFF  }
0xab: {  	[dreg:$0x1] =	wrdreg $0xFFFFFFFF  }
0xac: {  	[dreg:$0x0] =	wrdreg $0x60  }
0xad: {  	[dreg:$0x2] =	wrdreg s0  }
0xae: {  	[dreg:$0x3] =	wrdreg s17  }
0xaf: {  	[dreg:$0x4] =	wrdreg s2  }
0xb0: {  	[dreg:$0x5] =	wrdreg $0x36800  }
0xb1: {  	[dreg:$0x6] =	wrdreg $0x9  }
0xb2: {  	_ =	task.clear_ibuf [dreg:s7], $0x7FFFF;
	_ =	strace $0x90000046  }
0xb3: {  	s26 =	simm.s32 $0x9;
	_ =	strace $0x80000048  }
0xb4: {  	_ =	swait.ge [sflag:s26], $0x1  }
0xb5: {  	[sflag:s26] =	ssyncadd.s32 $0xFFFFFFFF  }
0xb6: {  	_ =	strace $0x90000048  }
0xb7: {  	_ =	sfence  }
0xb8: {  	s28 =	sld [smem:$0x0];
	_ =	sdelay $0x1  }
0xb9: {  	s29 =	srdreg.scid  }
0xba: {  	s30 =	sshll.u32 s29, $0xD;
	s31 =	sshrl.u32 s29, $0x2  }
0xbb: {  	s1 =	sand.u32 $0x1, s29;
	s2 =	sand.u32 $0x4000, s30;
	s0 =	sadd.s32 s31, s28  }
0xbc: {  	s1 =	sor.u32 s2, s1;
	s0 =	sshll.u32 s0, $0x11  }
0xbd: {  	s0 =	sor.u32 s0, s1  }
0xbe: {  	s0 =	sadd.s32 $0x8F2B, s0  }
0xbf: {  	[sflag:s0] =	ssyncadd.remote.s32 $0x1  }
0xc0: {  	_ =	sfence.sel $0xFFFF  }
0xc1: {  	[dreg:$0x0] =	wrdreg $0xFFFFFFFF;
	(pc) =	sbr.abs _section_cstart, $3  }
0xc2: {  	[dreg:$0x1] =	wrdreg $0xFFFFFFFF  }
0xc3: {  	_ =	task.clear_ibuf [dreg:s7], $0x2FFFF;
	_ =	strace $0x9FFFFFFF  }
0xc4: {  	(tm) =	ssettm $0x7FFFFFFF  }
0xc5: {  	_ =	shalt  }
tec
execute0_lowered:
.L_overlay_start_1:
0x0: {  	(tag) =	ssettag $0x1  }
0x1: {  	s5 =	rddreg [dreg:$0x0]  }
0x2: {  	s6 =	rddreg [dreg:$0x1];
	s0 =	stileid.u32  }
0x3: {  	s2 =	rddreg [dreg:$0x2];
	s4 =	smul.u32 $0x7C0, s0  }
0x4: {  	s3 =	rddreg [dreg:$0x3];
	s7 =	simm.s32 $0x0  }
0x5: {  	[smem:$0x7FF] =	sst s7;
	s8 =	sshrl.u32 s4, $0x3  }
0x6: {  	s1 =	rddreg [dreg:$0x4];
	_ =	strace $0x80000047;
	s5 =	sadd.s32 s5, s8  }
0x7: {  	[tilespmem:s7], [sflag:$0x1] =	stream.linear.gather [hbm4b:s5+s7], $0x7C0, $0x38;
	[tilespmem:$0x36B0] =	vst v63  }
0x8: {  	s24 =	simm.s32 $0x3280  }
0x9: {  	v0 =	vimm.f32 $0.0e+00;
	[tilespmem:s24], [sflag:$0x2] =	stream.linear.gather [hbm4b:s6+s7], $0x400, $0x38;
	[tilespmem:$0x36B0] =	vst v63  }
0xa: {  	[tilespmem:$0x2A00] =	vst v0  }
0xb: {  	[tilespmem:$0x2A10] =	vst v0  }
0xc: {  	[tilespmem:$0x2A20] =	vst v0  }
0xd: {  	[tilespmem:$0x2A30] =	vst v0  }
0xe: {  	[tilespmem:$0x2A40] =	vst v0  }
0xf: {  	[tilespmem:$0x2A50] =	vst v0  }
0x10: {  	[tilespmem:$0x2A60] =	vst v0  }
0x11: {  	[tilespmem:$0x2A70] =	vst v0  }
0x12: {  	[tilespmem:$0x2A80] =	vst v0  }
0x13: {  	[tilespmem:$0x2A90] =	vst v0  }
0x14: {  	[tilespmem:$0x2AA0] =	vst v0  }
0x15: {  	[tilespmem:$0x2AB0] =	vst v0  }
0x16: {  	[tilespmem:$0x2AC0] =	vst v0  }
0x17: {  	[tilespmem:$0x2AD0] =	vst v0  }
0x18: {  	[tilespmem:$0x2AE0] =	vst v0  }
0x19: {  	[tilespmem:$0x2AF0] =	vst v0  }
0x1a: {  	[tilespmem:$0x2B00] =	vst v0  }
0x1b: {  	[tilespmem:$0x2B10] =	vst v0  }
0x1c: {  	[tilespmem:$0x2B20] =	vst v0  }
0x1d: {  	[tilespmem:$0x2B30] =	vst v0  }
0x1e: {  	[tilespmem:$0x2B40] =	vst v0  }
0x1f: {  	[tilespmem:$0x2B50] =	vst v0  }
0x20: {  	[tilespmem:$0x2B60] =	vst v0  }
0x21: {  	[tilespmem:$0x2B70] =	vst v0  }
0x22: {  	[tilespmem:$0x2B80] =	vst v0  }
0x23: {  	[tilespmem:$0x2B90] =	vst v0  }
0x24: {  	[tilespmem:$0x2BA0] =	vst v0  }
0x25: {  	[tilespmem:$0x2BB0] =	vst v0  }
0x26: {  	[tilespmem:$0x2BC0] =	vst v0  }
0x27: {  	[tilespmem:$0x2BD0] =	vst v0  }
0x28: {  	[tilespmem:$0x2BE0] =	vst v0  }
0x29: {  	[tilespmem:$0x2BF0] =	vst v0  }
0x2a: {  	[tilespmem:$0x2C00] =	vst v0  }
0x2b: {  	[tilespmem:$0x2C10] =	vst v0  }
0x2c: {  	[tilespmem:$0x2C20] =	vst v0  }
0x2d: {  	[tilespmem:$0x2C30] =	vst v0  }
0x2e: {  	[tilespmem:$0x2C40] =	vst v0  }
0x2f: {  	[tilespmem:$0x2C50] =	vst v0  }
0x30: {  	[tilespmem:$0x2C60] =	vst v0  }
0x31: {  	[tilespmem:$0x2C70] =	vst v0  }
0x32: {  	[tilespmem:$0x2C80] =	vst v0  }
0x33: {  	[tilespmem:$0x2C90] =	vst v0  }
0x34: {  	[tilespmem:$0x2CA0] =	vst v0  }
0x35: {  	[tilespmem:$0x2CB0] =	vst v0  }
0x36: {  	[tilespmem:$0x2CC0] =	vst v0  }
0x37: {  	[tilespmem:$0x2CD0] =	vst v0  }
0x38: {  	[tilespmem:$0x2CE0] =	vst v0  }
0x39: {  	[tilespmem:$0x2CF0] =	vst v0  }
0x3a: {  	[tilespmem:$0x2D00] =	vst v0  }
0x3b: {  	[tilespmem:$0x2D10] =	vst v0  }
0x3c: {  	[tilespmem:$0x2D20] =	vst v0  }
0x3d: {  	[tilespmem:$0x2D30] =	vst v0  }
0x3e: {  	[tilespmem:$0x2D40] =	vst v0  }
0x3f: {  	[tilespmem:$0x2D50] =	vst v0  }
0x40: {  	[tilespmem:$0x2D60] =	vst v0  }
0x41: {  	[tilespmem:$0x2D70] =	vst v0  }
0x42: {  	[tilespmem:$0x2D80] =	vst v0  }
0x43: {  	[tilespmem:$0x2D90] =	vst v0  }
0x44: {  	[tilespmem:$0x2DA0] =	vst v0  }
0x45: {  	[tilespmem:$0x2DB0] =	vst v0  }
0x46: {  	[tilespmem:$0x2DC0] =	vst v0  }
0x47: {  	[tilespmem:$0x2DD0] =	vst v0  }
0x48: {  	[tilespmem:$0x2DE0] =	vst v0  }
0x49: {  	[tilespmem:$0x2DF0] =	vst v0  }
0x4a: {  	s25 =	simm.s32 $0x1;
	[tilespmem:$0x2E00] =	vst v0  }
0x4b: {  	_ =	swait.ge [sflag:s25], $0x7C0  }
0x4c: {  	[sflag:s25] =	ssyncset.done $0x0  }
0x4d: {  	s26 =	simm.s32 $0x20;
	v1 =	vimm.f32 $1.500000000e+01;
	vm0 =	vcmask $0x300;
	[sflag:s25] =	ssyncadd.s32 $0xFFFFF840  }
0x4e: {  	vm13 =	vcmask $0x704;
	v1 =	vsel vm0, $0x0, v1;
	v2 =	vld [tilespmem:s26+$0x10]  }
0x4f: {  	vm14 =	vcmask $0xB08;
	vm15 =	vcmask $0xF0C;
	v1 =	vsel vm13, $0x3F800000, v1;
	v3 =	vld [tilespmem:s26+$0xFFFFFFE0]  }
0x50: {  	vm4 =	vcmask $0x1310;
	vm5 =	vcmask $0x1714;
	v1 =	vsel vm14, $0x40000000, v1;
	v4 =	vld [tilespmem:s26+$0xFFFFFFF0]  }
0x51: {  	vm6 =	vcmask $0x1B18;
	vm7 =	vcmask $0x1F1C;
	v1 =	vsel vm15, $0x40400000, v1;
	v5 =	vld [tilespmem:s26+$0x0]  }
0x52: {  	vm8 =	vcmask $0x2320;
	vm9 =	vcmask $0x2724;
	v1 =	vsel vm4, $0x40800000, v1  }
0x53: {  	vm10 =	vcmask $0x2B28;
	v1 =	vsel vm5, $0x40A00000, v1;
	v2 =	vmul.f32 $1.442695020e+00, v2  }
0x54: {  	vm11 =	vcmask $0x2F2C;
	v1 =	vsel vm6, $0x40C00000, v1;
	v3 =	vmul.f32 $1.442695020e+00, v3  }
0x55: {  	v1 =	vsel vm7, $0x40E00000, v1;
	v4 =	vmul.f32 $1.442695020e+00, v4;
	(erf) = vpow2.f32 v2  }
0x56: {  	s28 =	simm.s32 $0x60;
	v1 =	vsel vm8, $0x41000000, v1;
	v2 =	vmul.f32 $1.442695020e+00, v5;
	(erf) = vpow2.f32 v3  }
0x57: {  	vm12 =	vcmask $0x3330;
	v1 =	vsel vm9, $0x41100000, v1;
	v3 =	vld [tilespmem:s28+$0x10];
	(erf) = vpow2.f32 v4  }
0x58: {  	v7 =	vimm.f32 $-1.000000000e+00;
	v1 =	vsel vm10, $0x41200000, v1;
	(erf) = vpow2.f32 v2;
	v2 =	vld [tilespmem:s28+$0xFFFFFFE0]  }
0x59: {  	v14 =	vimm.f32 $-1.000000000e+00;
	v15 =	vimm.f32 $-1.000000000e+00;
	s29 =	sadd.s32 $0x0, s4;
	v1 =	vsel vm11, $0x41300000, v1;
	v4 =	vld [tilespmem:s28+$0xFFFFFFF0]  }
0x5a: {  	v9 =	vimm.f32 $0.0e+00;
	vm13 =	vcmask $0x3734;
	s30 =	sadd.s32 $0x30, s29;
	v1 =	vsel vm12, $0x41400000, v1  }
0x5b: {  	v17 =	vimm.f32 $0.0e+00;
	vm14 =	vcmask $0x3B38;
	s5 =	scvt.s32.f32 s30;
	v1 =	vsel vm13, $0x41500000, v1;
	v5 =	vld [tilespmem:s28+$0x0]  }
0x5c: {  	v19 =	vimm.f32 $0.0e+00;
	s31 =	sadd.s32 $0x10, s29;
	v1 =	vsel vm14, $0x41600000, v1;
	v3 =	vmul.f32 $1.442695020e+00, v3  }
0x5d: {  	v22 =	vimm.f32 $0.0e+00;
	v6 =	vadd.f32 s5, v1;
	s5 =	scvt.s32.f32 s31;
	v2 =	vmul.f32 $1.442695020e+00, v2  }
0x5e: {  	v11 =	vimm.f32 $-1.000000000e+00;
	v4 =	vmul.f32 $1.442695020e+00, v4;
	v10 =	vpop (erf);
	(erf) = vpow2.f32 v3  }
0x5f: {  	v18 =	vadd.f32 s5, v1;
	vm15 =	vgt.f32 v10, v7;
	v21 =	vpop (erf);
	(erf) = vpow2.f32 v2  }
0x60: {  	s10 =	sadd.s32 $0x20, s29;
	v8 =	vmul.f32 $1.442695020e+00, v5;
	v3 =	vsel vm15, v6, v0;
	v16 =	vpop (erf);
	(erf) = vpow2.f32 v4  }
0x61: {  	s9 =	simm.s32 $0xA0;
	s8 =	scvt.s32.f32 s29;
	s7 =	scvt.s32.f32 s10;
	v5 =	vmax.f32 v7, v21;
	v6 =	vimm.f32 $0.0e+00;
	v4 =	vmax.f32 v7, v16;
	v20 =	vpop (erf)  }
0x62: {  	s6 =	simm.s32 $0x40;
	s10 =	simm.s32 $0xC0;
	v12 =	vld [tilespmem:s9+$0x10];
	s5 =	simm.s32 $0x80;
	(erf) = vpow2.f32 v8;
	v8 =	vimm.f32 $0.0e+00;
	v2 =	vmax.f32 v7, v20  }
.LBB2_1:
0x63: {  	p0 =	sne.s32 s10, $0x780;
	v13 =	vld [tilespmem:s9+$0xFFFFFFE0];
	vm0 =	vgt.f32 v21, v7;
	v23 =	vadd.f32 s8, v1;
	v24 =	vadd.f32 s7, v1;
	v7 =	vmovc v5  }
0x64: {  	s7 =	sadd.s32 s6, s4;
	v0 =	vadd.f32 v21, v0;
	vm1 =	vgt.f32 v16, v14;
	vm2 =	vgt.f32 v20, v15;
	v14 =	vmovc v4;
	s6 =	smov.u32 s5;
	s5 =	smov.u32 s10;
	v25 =	vld [tilespmem:s9+$0xFFFFFFF0]  }
0x65: {  	v15 =	vmovc v2;
	s8 =	sadd.s32 $0x10, s7;
	s11 =	sadd.s32 $0x20, s7;
	s12 =	sadd.s32 $0x30, s7;
	v8 =	vsel vm1, v18, v8;
	v26 =	vld [tilespmem:s9+$0x0];
	v9 =	vsel vm0, v23, v9;
	v6 =	vsel vm2, v24, v6  }
0x66: {  	v17 =	vadd.f32 v16, v17;
	v19 =	vadd.f32 v20, v19;
	s13 =	scvt.s32.f32 s8;
	s12 =	scvt.s32.f32 s12  }
0x67: {  	v22 =	vadd.f32 v10, v22;
	s8 =	scvt.s32.f32 s7;
	s7 =	scvt.s32.f32 s11;
	v12 =	vmul.f32 $1.442695020e+00, v12  }
.Ltmp0:
0x68: {  	v11 =	vmax.f32 v11, v10;
	v24 =	vadd.f32 s12, v1;
	v13 =	vmul.f32 $1.442695020e+00, v13;
	v10 =	vpop (erf);
	(pc) =	sbr.rel @p0 .LBB2_1-.Ltmp0, $4  }
0x69: {  	v18 =	vmul.f32 $1.442695020e+00, v25;
	(erf) = vpow2.f32 v12;
	vm0 =	vgt.f32 v10, v11;
	v21 =	vpop (erf)  }
0x6a: {  	v23 =	vmul.f32 $1.442695020e+00, v26;
	(erf) = vpow2.f32 v13;
	v3 =	vsel vm0, v24, v3;
	v16 =	vpop (erf)  }
0x6b: {  	s9 =	sadd.s32 $0x40, s9;
	v5 =	vmax.f32 v5, v21;
	(erf) = vpow2.f32 v18;
	v4 =	vmax.f32 v4, v16;
	v20 =	vpop (erf)  }
0x6c: {  	s10 =	sadd.s32 $0x40, s10;
	v18 =	vadd.f32 s13, v1;
	v12 =	vld [tilespmem:s9+$0x10];
	(erf) = vpow2.f32 v23;
	v2 =	vmax.f32 v2, v20  }
0x6d: {  	v13 =	vld [tilespmem:s9+$0xFFFFFFE0]  }
0x6e: {  	v23 =	vld [tilespmem:s9+$0xFFFFFFF0]  }
0x6f: {  	v24 =	vld [tilespmem:s9+$0x0];
	_ =	sdelay $0x1  }
0x70: {  	v12 =	vmul.f32 $1.442695020e+00, v12  }
0x71: {  	v13 =	vmul.f32 $1.442695020e+00, v13  }
0x72: {  	v23 =	vmul.f32 $1.442695020e+00, v23;
	(erf) = vpow2.f32 v12  }
0x73: {  	v54 =	vmul.f32 $1.442695020e+00, v24;
	(erf) = vpow2.f32 v13  }
0x74: {  	(erf) = vpow2.f32 v23  }
0x75: {  	(erf) = vpow2.f32 v54;
	_ =	sdelay $0x1  }
0x76: {  	v55 =	vpop (erf)  }
0x77: {  	v56 =	vpop (erf)  }
0x78: {  	v25 =	vpop (erf)  }
0x79: {  	v26 =	vpop (erf)  }
0x7a: {  	v27 =	vpop (erf)  }
0x7b: {  	v28 =	vpop (erf)  }
0x7c: {  	v29 =	vmax.f32 v11, v10;
	v30 =	vmax.f32 v5, v56;
	v31 =	vmax.f32 v4, v25;
	v32 =	vpop (erf)  }
0x7d: {  	v33 =	vmax.f32 v2, v26;
	v34 =	vmax.f32 v30, v28;
	v35 =	vmax.f32 v31, v32;
	v36 =	vpop (erf)  }
0x7e: {  	v37 =	vmax.f32 v29, v55;
	v38 =	vmax.f32 v33, v36;
	v39 =	vmax.f32 v34, v35  }
0x7f: {  	v57 =	vmax.f32 v37, v27;
	v58 =	vmax.f32 v39, v38  }
0x80: {  	v59 =	vmax.f32 v58, v57  }
0x81: {  	(v2sf) =	vpush v59, $0x0  }
0x82: {  	(v2sf) =	vpush v59, $0x1  }
0x83: {  	(v2sf) =	vpush v59, $0x2  }
0x84: {  	(v2sf) =	vpush v59, $0x3  }
0x85: {  	(v2sf) =	vpush v59, $0x4  }
0x86: {  	(v2sf) =	vpush v59, $0x5  }
0x87: {  	(v2sf) =	vpush v59, $0x6  }
0x88: {  	(v2sf) =	vpush v59, $0x7  }
0x89: {  	(v2sf) =	vpush v59, $0x8  }
0x8a: {  	(v2sf) =	vpush v59, $0x9  }
0x8b: {  	v60 =	vadd.f32 v10, v22;
	(v2sf) =	vpush v59, $0xA  }
0x8c: {  	v61 =	vadd.f32 s8, v1;
	(v2sf) =	vpush v59, $0xB  }
0x8d: {  	v0 =	vadd.f32 v21, v0;
	(v2sf) =	vpush v59, $0xC  }
0x8e: {  	v17 =	vadd.f32 v16, v17;
	(v2sf) =	vpush v59, $0xD  }
0x8f: {  	vm0 =	vgt.f32 v21, v7;
	v7 =	vadd.f32 v20, v19;
	(v2sf) =	vpush v59, $0xE  }
0x90: {  	v63 =	vadd.f32 s7, v1;
	s8 =	spop (v2sf);
	(v2sf) =	vpush v59, $0xF  }
0x91: {  	s12 =	sadd.s32 s6, s4;
	v10 =	vadd.f32 v55, v60;
	v0 =	vadd.f32 v56, v0;
	s9 =	spop (v2sf)  }
0x92: {  	vm1 =	vgt.f32 v16, v14;
	s11 =	sadd.s32 $0x30, s12;
	s13 =	sadd.s32 $0x10, s12;
	v62 =	vadd.f32 v25, v17;
	v7 =	vadd.f32 v26, v7;
	s6 =	spop (v2sf)  }
0x93: {  	vm2 =	vgt.f32 v20, v15;
	s19 =	sadd.s32 $0x20, s12;
	s12 =	scvt.s32.f32 s12;
	v10 =	vadd.f32 v27, v10;
	v0 =	vadd.f32 v28, v0;
	s10 =	spop (v2sf)  }
0x94: {  	v8 =	vsel vm1, v18, v8;
	s14 =	scvt.s32.f32 s11;
	v14 =	vadd.f32 v32, v62;
	v7 =	vadd.f32 v36, v7;
	s11 =	spop (v2sf)  }
0x95: {  	v9 =	vsel vm0, v61, v9;
	vm13 =	vgt.f32 v25, v4;
	v4 =	vadd.f32 s12, v1;
	s15 =	spop (v2sf)  }
0x96: {  	vm12 =	vgt.f32 v56, v5;
	v0 =	vadd.f32 v14, v0;
	v5 =	vadd.f32 v10, v7;
	s21 =	spop (v2sf)  }
0x97: {  	v6 =	vsel vm2, v63, v6;
	vm11 =	vgt.f32 v55, v29;
	vm14 =	vgt.f32 v26, v2;
	s23 =	spop (v2sf)  }
0x98: {  	s20 =	sadd.s32 s5, s4;
	s7 =	scvt.s32.f32 s19;
	v4 =	vsel vm12, v4, v9;
	v7 =	vadd.f32 s14, v1;
	v0 =	vadd.f32 v5, v0;
	s16 =	spop (v2sf)  }
0x99: {  	s24 =	sadd.s32 $0x10, s20;
	s13 =	scvt.s32.f32 s13;
	vm15 =	vgt.f32 v27, v37;
	vm4 =	vgt.f32 v28, v30;
	vm5 =	vgt.f32 v32, v31;
	s26 =	spop (v2sf)  }
0x9a: {  	s25 =	scvt.s32.f32 s24;
	v3 =	vsel vm11, v7, v3;
	v7 =	vadd.f32 s7, v1;
	(v2sf) =	vpush v0, $0x0;
	s28 =	spop (v2sf)  }
0x9b: {  	s22 =	sadd.s32 $0x30, s20;
	s4 =	scvt.s32.f32 s20;
	vm6 =	vgt.f32 v36, v33;
	v5 =	vadd.f32 s13, v1;
	(v2sf) =	vpush v0, $0x1;
	s29 =	spop (v2sf)  }
0x9c: {  	s12 =	scvt.s32.f32 s22;
	v6 =	vsel vm14, v7, v6;
	v7 =	vadd.f32 s25, v1;
	(v2sf) =	vpush v0, $0x2;
	s30 =	spop (v2sf)  }
0x9d: {  	s17 =	sadd.s32 $0x20, s20;
	v2 =	vsel vm13, v5, v8;
	v8 =	vadd.f32 s4, v1;
	(v2sf) =	vpush v0, $0x3;
	s31 =	spop (v2sf)  }
0x9e: {  	s17 =	scvt.s32.f32 s17;
	vm7 =	veq.f32 v35, v34;
	v5 =	vadd.f32 s12, v1;
	(v2sf) =	vpush v0, $0x4;
	s18 =	spop (v2sf)  }
0x9f: {  	v4 =	vsel vm4, v8, v4;
	v2 =	vsel vm5, v7, v2;
	s19 =	spop (v2sf);
	(v2sf) =	vpush v0, $0x5  }
0xa0: {  	v1 =	vadd.f32 s17, v1;
	v7 =	vmin.f32 v4, v2;
	s8 =	smax.f32 s8, s9;
	s6 =	smax.f32 s6, s10;
	(v2sf) =	vpush v0, $0x6  }
0xa1: {  	vm8 =	vgt.f32 v35, v34;
	v4 =	vsel vm7, v7, v4;
	s10 =	smax.f32 s11, s15;
	s5 =	smax.f32 s21, s23;
	(v2sf) =	vpush v0, $0x7  }
0xa2: {  	v1 =	vsel vm6, v1, v6;
	v2 =	vsel vm8, v2, v4;
	s6 =	smax.f32 s8, s6;
	s5 =	smax.f32 s10, s5;
	(v2sf) =	vpush v0, $0x8  }
0xa3: {  	vm9 =	veq.f32 v38, v39;
	v4 =	vmin.f32 v2, v1;
	s11 =	smax.f32 s16, s26;
	s7 =	smax.f32 s28, s29;
	(v2sf) =	vpush v0, $0x9  }
0xa4: {  	vm10 =	vgt.f32 v38, v39;
	v2 =	vsel vm9, v4, v2;
	s4 =	smax.f32 s30, s31;
	s13 =	smax.f32 s18, s19;
	(v2sf) =	vpush v0, $0xA  }
0xa5: {  	v3 =	vsel vm15, v5, v3;
	v1 =	vsel vm10, v1, v2;
	s7 =	smax.f32 s11, s7;
	s4 =	smax.f32 s4, s13;
	(v2sf) =	vpush v0, $0xB  }
0xa6: {  	vm11 =	veq.f32 v57, v58;
	v2 =	vmin.f32 v1, v3;
	s5 =	smax.f32 s6, s5;
	s4 =	smax.f32 s7, s4;
	(v2sf) =	vpush v0, $0xC  }
0xa7: {  	vm12 =	vgt.f32 v57, v58;
	v1 =	vsel vm11, v2, v1;
	s4 =	smax.f32 s5, s4;
	(v2sf) =	vpush v0, $0xD  }
0xa8: {  	v1 =	vsel vm12, v3, v1;
	vm13 =	veq.f32 v59, s4;
	(v2sf) =	vpush v0, $0xE  }
0xa9: {  	s14 =	spop (v2sf);
	(v2sf) =	vpush v0, $0xF;
	v0 =	vnsel vm13, $0x4E6E6B28, v1  }
0xaa: {  	s15 =	spop (v2sf);
	(v2sf) =	vpush v0, $0x0  }
0xab: {  	s16 =	spop (v2sf);
	(v2sf) =	vpush v0, $0x1  }
0xac: {  	s17 =	spop (v2sf);
	(v2sf) =	vpush v0, $0x2  }
0xad: {  	s18 =	spop (v2sf);
	(v2sf) =	vpush v0, $0x3  }
0xae: {  	s19 =	spop (v2sf);
	(v2sf) =	vpush v0, $0x4  }
0xaf: {  	s22 =	spop (v2sf);
	(v2sf) =	vpush v0, $0x5  }
0xb0: {  	s23 =	spop (v2sf);
	(v2sf) =	vpush v0, $0x6  }
0xb1: {  	s5 =	sadd.f32 s15, s14;
	s24 =	spop (v2sf);
	(v2sf) =	vpush v0, $0x7  }
0xb2: {  	s7 =	sadd.f32 s17, s16;
	s25 =	spop (v2sf);
	(v2sf) =	vpush v0, $0x8  }
0xb3: {  	s26 =	spop (v2sf);
	(v2sf) =	vpush v0, $0x9  }
0xb4: {  	s5 =	sadd.f32 s7, s5;
	s28 =	spop (v2sf);
	(v2sf) =	vpush v0, $0xA  }
0xb5: {  	s9 =	sadd.f32 s19, s18;
	s29 =	spop (v2sf);
	(v2sf) =	vpush v0, $0xB  }
0xb6: {  	s11 =	sadd.f32 s23, s22;
	s30 =	spop (v2sf);
	(v2sf) =	vpush v0, $0xC  }
0xb7: {  	s13 =	sadd.f32 s25, s24;
	s31 =	spop (v2sf);
	(v2sf) =	vpush v0, $0xD  }
0xb8: {  	s9 =	sadd.f32 s11, s9;
	s20 =	spop (v2sf);
	(v2sf) =	vpush v0, $0xE  }
0xb9: {  	s15 =	sadd.f32 s28, s26;
	s6 =	spop (v2sf);
	(v2sf) =	vpush v0, $0xF  }
0xba: {  	s5 =	sadd.f32 s9, s5;
	s21 =	spop (v2sf)  }
0xbb: {  	s17 =	sadd.f32 s30, s29;
	s8 =	spop (v2sf)  }
0xbc: {  	s19 =	sadd.f32 s20, s31;
	s10 =	spop (v2sf)  }
0xbd: {  	s13 =	sadd.f32 s15, s13;
	s12 =	spop (v2sf)  }
0xbe: {  	s17 =	sadd.f32 s19, s17;
	s14 =	spop (v2sf)  }
0xbf: {  	s6 =	smin.f32 s6, s21;
	s16 =	spop (v2sf)  }
0xc0: {  	s13 =	sadd.f32 s17, s13;
	s22 =	spop (v2sf)  }
0xc1: {  	s8 =	smin.f32 s8, s10;
	s23 =	spop (v2sf)  }
0xc2: {  	s6 =	smin.f32 s6, s8;
	s24 =	spop (v2sf)  }
0xc3: {  	s5 =	sadd.f32 s13, s5;
	s25 =	spop (v2sf)  }
0xc4: {  	s14 =	smin.f32 s12, s14;
	s26 =	spop (v2sf)  }
0xc5: {  	s16 =	smin.f32 s16, s22;
	s28 =	spop (v2sf)  }
0xc6: {  	s18 =	smin.f32 s14, s16;
	s29 =	spop (v2sf)  }
0xc7: {  	s7 =	smin.f32 s23, s24;
	s30 =	spop (v2sf)  }
0xc8: {  	s11 =	smin.f32 s25, s26;
	s31 =	spop (v2sf)  }
0xc9: {  	s9 =	smin.f32 s28, s29;
	s13 =	smin.f32 s30, s31  }
0xca: {  	s7 =	smin.f32 s7, s11;
	s9 =	smin.f32 s9, s13  }
0xcb: {  	v0 =	vmov s4;
	s6 =	smin.f32 s6, s18;
	s7 =	smin.f32 s7, s9  }
0xcc: {  	s4 =	sshll.u32 s0, $0xB;
	[tilespmem:$0x800] =	vst v0;
	v0 =	vmov s5;
	s6 =	smin.f32 s6, s7  }
0xcd: {  	s19 =	sshrl.u32 s4, $0x2;
	[tilespmem:$0x880] =	vst v0;
	v0 =	vmov s6  }
0xce: {  	s20 =	simm.s32 $0x800;
	s5 =	sadd.s32 s19, s3;
	[tilespmem:$0x900] =	vst v0  }
0xcf: {  	v0 =	vimm.f32 $0.0e+00;
	[spmem:s5] =	stream.linear.scatter [tilespmem:s20], [sflag:$0x3], $0x180, $0x38;
	[tilespmem:$0x36B0] =	vst v63  }
0xd0: {  	[tilespmem:$0x2E00] =	vst v0  }
0xd1: {  	[tilespmem:$0x2E10] =	vst v0  }
0xd2: {  	[tilespmem:$0x2E20] =	vst v0  }
0xd3: {  	[tilespmem:$0x2E30] =	vst v0  }
0xd4: {  	[tilespmem:$0x2E40] =	vst v0  }
0xd5: {  	[tilespmem:$0x2E50] =	vst v0  }
0xd6: {  	[tilespmem:$0x2E60] =	vst v0  }
0xd7: {  	[tilespmem:$0x2E70] =	vst v0  }
0xd8: {  	[tilespmem:$0x2E80] =	vst v0  }
0xd9: {  	[tilespmem:$0x2E90] =	vst v0  }
0xda: {  	[tilespmem:$0x2EA0] =	vst v0  }
0xdb: {  	[tilespmem:$0x2EB0] =	vst v0  }
0xdc: {  	[tilespmem:$0x2EC0] =	vst v0  }
0xdd: {  	[tilespmem:$0x2ED0] =	vst v0  }
0xde: {  	[tilespmem:$0x2EE0] =	vst v0  }
0xdf: {  	[tilespmem:$0x2EF0] =	vst v0  }
0xe0: {  	[tilespmem:$0x2F00] =	vst v0  }
0xe1: {  	[tilespmem:$0x2F10] =	vst v0  }
0xe2: {  	[tilespmem:$0x2F20] =	vst v0  }
0xe3: {  	[tilespmem:$0x2F30] =	vst v0  }
0xe4: {  	[tilespmem:$0x2F40] =	vst v0  }
0xe5: {  	[tilespmem:$0x2F50] =	vst v0  }
0xe6: {  	[tilespmem:$0x2F60] =	vst v0  }
0xe7: {  	[tilespmem:$0x2F70] =	vst v0  }
0xe8: {  	[tilespmem:$0x2F80] =	vst v0  }
0xe9: {  	[tilespmem:$0x2F90] =	vst v0  }
0xea: {  	[tilespmem:$0x2FA0] =	vst v0  }
0xeb: {  	[tilespmem:$0x2FB0] =	vst v0  }
0xec: {  	[tilespmem:$0x2FC0] =	vst v0  }
0xed: {  	[tilespmem:$0x2FD0] =	vst v0  }
0xee: {  	[tilespmem:$0x2FE0] =	vst v0  }
0xef: {  	[tilespmem:$0x2FF0] =	vst v0  }
0xf0: {  	[tilespmem:$0x3000] =	vst v0  }
0xf1: {  	[tilespmem:$0x3010] =	vst v0  }
0xf2: {  	[tilespmem:$0x3020] =	vst v0  }
0xf3: {  	[tilespmem:$0x3030] =	vst v0  }
0xf4: {  	[tilespmem:$0x3040] =	vst v0  }
0xf5: {  	[tilespmem:$0x3050] =	vst v0  }
0xf6: {  	[tilespmem:$0x3060] =	vst v0  }
0xf7: {  	[tilespmem:$0x3070] =	vst v0  }
0xf8: {  	[tilespmem:$0x3080] =	vst v0  }
0xf9: {  	[tilespmem:$0x3090] =	vst v0  }
0xfa: {  	[tilespmem:$0x30A0] =	vst v0  }
0xfb: {  	[tilespmem:$0x30B0] =	vst v0  }
0xfc: {  	[tilespmem:$0x30C0] =	vst v0  }
0xfd: {  	[tilespmem:$0x30D0] =	vst v0  }
0xfe: {  	[tilespmem:$0x30E0] =	vst v0  }
0xff: {  	[tilespmem:$0x30F0] =	vst v0  }
0x100: {  	[tilespmem:$0x3100] =	vst v0  }
0x101: {  	[tilespmem:$0x3110] =	vst v0  }
0x102: {  	[tilespmem:$0x3120] =	vst v0  }
0x103: {  	[tilespmem:$0x3130] =	vst v0  }
0x104: {  	[tilespmem:$0x3140] =	vst v0  }
0x105: {  	[tilespmem:$0x3150] =	vst v0  }
0x106: {  	[tilespmem:$0x3160] =	vst v0  }
0x107: {  	[tilespmem:$0x3170] =	vst v0  }
0x108: {  	[tilespmem:$0x3180] =	vst v0  }
0x109: {  	[tilespmem:$0x3190] =	vst v0  }
0x10a: {  	[tilespmem:$0x31A0] =	vst v0  }
0x10b: {  	[tilespmem:$0x31B0] =	vst v0  }
0x10c: {  	[tilespmem:$0x31C0] =	vst v0  }
0x10d: {  	[tilespmem:$0x31D0] =	vst v0  }
0x10e: {  	[tilespmem:$0x31E0] =	vst v0  }
0x10f: {  	[tilespmem:$0x31F0] =	vst v0  }
0x110: {  	[tilespmem:$0x3200] =	vst v0  }
0x111: {  	s21 =	simm.s32 $0x3;
	[tilespmem:$0x3210] =	vst v0  }
0x112: {  	_ =	swait.ge [sflag:s21], $0x180  }
0x113: {  	[sflag:s21] =	ssyncset.done $0x0  }
0x114: {  	[sflag:s21] =	ssyncadd.s32 $0xFFFFFE80  }
0x115: {  	s22 =	simm.s32 $0xA00;
	[bflag:$0x0] =	sbarrier.arrive $0xFFFF  }
0x116: {  	[tilespmem:s22], [sflag:$0x4] =	stream.linear.gather [spmem:s3], $0x180, $0x38;
	[tilespmem:$0x36B0] =	vst v63  }
0x117: {  	s23 =	sadd.s32 $0x200, s3;
	s24 =	simm.s32 $0xC00  }
0x118: {  	[tilespmem:s24], [sflag:$0x4] =	stream.linear.gather [spmem:s23], $0x180, $0x38;
	[tilespmem:$0x36B0] =	vst v63  }
0x119: {  	s25 =	sadd.s32 $0x400, s3;
	s26 =	simm.s32 $0xE00  }
0x11a: {  	[tilespmem:s26], [sflag:$0x4] =	stream.linear.gather [spmem:s25], $0x180, $0x38;
	[tilespmem:$0x36B0] =	vst v63  }
0x11b: {  	s28 =	sadd.s32 $0x600, s3;
	s29 =	simm.s32 $0x1000  }
0x11c: {  	[tilespmem:s29], [sflag:$0x4] =	stream.linear.gather [spmem:s28], $0x180, $0x38;
	[tilespmem:$0x36B0] =	vst v63  }
0x11d: {  	s30 =	sadd.s32 $0x800, s3;
	s31 =	simm.s32 $0x1200  }
0x11e: {  	[tilespmem:s31], [sflag:$0x4] =	stream.linear.gather [spmem:s30], $0x180, $0x38;
	[tilespmem:$0x36B0] =	vst v63  }
0x11f: {  	s7 =	simm.s32 $0x1400;
	s6 =	sadd.s32 $0xA00, s3  }
0x120: {  	[tilespmem:s7], [sflag:$0x4] =	stream.linear.gather [spmem:s6], $0x180, $0x38;
	[tilespmem:$0x36B0] =	vst v63  }
0x121: {  	s8 =	sadd.s32 $0xC00, s3;
	s9 =	simm.s32 $0x1600  }
0x122: {  	[tilespmem:s9], [sflag:$0x4] =	stream.linear.gather [spmem:s8], $0x180, $0x38;
	[tilespmem:$0x36B0] =	vst v63  }
0x123: {  	s10 =	sadd.s32 $0xE00, s3;
	s11 =	simm.s32 $0x1800  }
0x124: {  	[tilespmem:s11], [sflag:$0x4] =	stream.linear.gather [spmem:s10], $0x180, $0x38;
	[tilespmem:$0x36B0] =	vst v63  }
0x125: {  	s12 =	sadd.s32 $0x1000, s3;
	s13 =	simm.s32 $0x1A00  }
0x126: {  	[tilespmem:s13], [sflag:$0x4] =	stream.linear.gather [spmem:s12], $0x180, $0x38;
	[tilespmem:$0x36B0] =	vst v63  }
0x127: {  	s15 =	simm.s32 $0x1C00;
	s14 =	sadd.s32 $0x1200, s3  }
0x128: {  	[tilespmem:s15], [sflag:$0x4] =	stream.linear.gather [spmem:s14], $0x180, $0x38;
	[tilespmem:$0x36B0] =	vst v63  }
0x129: {  	s17 =	simm.s32 $0x1E00;
	s16 =	sadd.s32 $0x1400, s3  }
0x12a: {  	[tilespmem:s17], [sflag:$0x4] =	stream.linear.gather [spmem:s16], $0x180, $0x38;
	[tilespmem:$0x36B0] =	vst v63  }
0x12b: {  	s19 =	simm.s32 $0x2000;
	s18 =	sadd.s32 $0x1600, s3  }
0x12c: {  	[tilespmem:s19], [sflag:$0x4] =	stream.linear.gather [spmem:s18], $0x180, $0x38;
	[tilespmem:$0x36B0] =	vst v63  }
0x12d: {  	s20 =	sadd.s32 $0x1800, s3;
	s21 =	simm.s32 $0x2200  }
0x12e: {  	[tilespmem:s21], [sflag:$0x4] =	stream.linear.gather [spmem:s20], $0x180, $0x38;
	[tilespmem:$0x36B0] =	vst v63  }
0x12f: {  	s22 =	sadd.s32 $0x1A00, s3;
	s23 =	simm.s32 $0x2400  }
0x130: {  	[tilespmem:s23], [sflag:$0x4] =	stream.linear.gather [spmem:s22], $0x180, $0x38;
	[tilespmem:$0x36B0] =	vst v63  }
0x131: {  	s24 =	sadd.s32 $0x1C00, s3;
	s25 =	simm.s32 $0x2600  }
0x132: {  	[tilespmem:s25], [sflag:$0x4] =	stream.linear.gather [spmem:s24], $0x180, $0x38;
	[tilespmem:$0x36B0] =	vst v63  }
0x133: {  	s26 =	sadd.s32 $0x1E00, s3;
	s28 =	simm.s32 $0x2800;
	s29 =	simm.s32 $0x4  }
0x134: {  	[tilespmem:s28], [sflag:$0x4] =	stream.linear.gather [spmem:s26], $0x180, $0x38;
	[tilespmem:$0x36B0] =	vst v63  }
0x135: {  	_ =	swait.ge [sflag:s29], $0x1800  }
0x136: {  	[sflag:s29] =	ssyncset.done $0x0  }
0x137: {  	s30 =	simm.s32 $0x0;
	[sflag:s29] =	ssyncadd.s32 $0xFFFFE800  }
0x138: {  	v2 =	vld [tilespmem:s30+$0xA00]  }
0x139: {  	v6 =	vld [tilespmem:s30+$0xB00];
	_ =	sdelay $0x1  }
0x13a: {  	v3 =	vld [tilespmem:s30+$0xA80];
	_ =	sdelay $0x1  }
0x13b: {  	v4 =	vimm.f32 $-1.000000000e+00;
	s31 =	simm.s32 $0x200  }
0x13c: {  	v1 =	vld [tilespmem:s31+$0xA00];
	vm14 =	veq.f32 v2, v4;
	v7 =	vmin.f32 v0, v6  }
0x13d: {  	v5 =	vld [tilespmem:s31+$0xB00];
	vm15 =	vgt.f32 v2, v4;
	v7 =	vsel vm14, v7, v0  }
0x13e: {  	s3 =	simm.s32 $0x1000;
	v0 =	vadd.f32 v3, v0;
	v3 =	vld [tilespmem:s31+$0xA80];
	v6 =	vsel vm15, v6, v7  }
.LBB2_3:
0x13f: {  	p0 =	sne.s32 s3, $0x7800  }
.Ltmp1:
0x140: {  	_ = 	snop;
	(pc) =	sbr.rel @p0 .LBB2_3-.Ltmp1, $4  }
0x141: {  	s5 =	sshra.s32 s3, $0x2;
	v4 =	vmax.f32 v4, v2;
	v2 =	vmov v1  }
0x142: {  	v1 =	vld [tilespmem:s5+$0xA00];
	v7 =	vmin.f32 v6, v5;
	vm0 =	veq.f32 v2, v4  }
0x143: {  	v8 =	vmov v5;
	v5 =	vld [tilespmem:s5+$0xB00];
	vm1 =	vgt.f32 v2, v4;
	v6 =	vsel vm0, v7, v6  }
0x144: {  	s3 =	sadd.s32 $0x800, s3;
	v0 =	vadd.f32 v3, v0;
	v3 =	vld [tilespmem:s5+$0xA80];
	v6 =	vsel vm1, v8, v6  }
0x145: {  	_ =	sdelay $0x1  }
0x146: {  	v2 =	vmax.f32 v4, v2  }
0x147: {  	vm0 =	veq.f32 v1, v2;
	v63 =	vmin.f32 v6, v5  }
0x148: {  	vm1 =	vgt.f32 v1, v2;
	v4 =	vsel vm0, v63, v6  }
0x149: {  	v4 =	vsel vm1, v5, v4  }
0x14a: {  	(v2sf) =	vpush v4, $0x0;
	_ =	sdelay $0xe  }
0x14b: {  	s3 =	spop (v2sf)  }
0x14c: {  	s3 =	scvt.f32.s32 s3;
	_ =	sdelay $0x1  }
0x14d: {  	s5 =	sadd.s32 $0x800, s4;
	p0 =	sgt.s32 s3, s4;
	s6 =	sadd.s32 $0x400, s3  }
0x14e: {  	p1 =	sgt.s32 s4, s3;
	s4 =	smov.u32 @p0 s3;
	p0 =	slt.s32 s6, s5  }
0x14f: {  	s7 =	simm.s32 $0x1;
	s5 =	smov.u32 @p0 s6;
	s25 =	ssub.s32 s4, s3  }
0x150: {  	s7 =	simm.s32 @!p1 $0x0;
	s8 =	sshra.s32 s25, $0x1F;
	s9 =	ssub.s32 s5, s3  }
0x151: {  	s10 =	sand.u32 $0xF, s25;
	p0 =	slt.s32 s4, s5;
	s7 =	sor.u32 s7, s8  }
0x152: {  	v0 =	vadd.f32 v3, v0;
	s9 =	sadd.s32 $0xF, s9;
	p6 =	sne.s32 s10, $0x0;
	s8 =	sshrl.u32 s8, $0x1C  }
0x153: {  	p5 =	sne.s32 s7, $0x1;
	s26 =	sand.u32 $0xF, s9;
	p2 =	slt.s32 s9, $0x1  }
0x154: {  	(erf) = vrcp.f32 v0;
	s6 =	sadd.s32 s8, s25;
	s29 =	sshra.s32 s9, $0x1F;
	s7 =	simm.s32 $0x1  }
0x155: {  	p3 =	sne.s32 s26, $0x0;
	p1 =	por !p6, !p5;
	s28 =	sshra.s32 s6, $0x4  }
0x156: {  	s6 =	simm.s32 $0x1;
	s5 =	sshrl.u32 s29, $0x1C;
	p2 =	por !p2, !p3  }
0x157: {  	p1 =	por !p1, !p1;
	s5 =	sadd.s32 s5, s9;
	p2 =	por !p2, !p2  }
0x158: {  	s7 =	simm.s32 @!p1 $0x0;
	s5 =	sshra.s32 s5, $0x4;
	s6 =	simm.s32 @!p2 $0x0  }
0x159: {  	s4 =	ssub.s32 s28, s7;
	s5 =	ssub.s32 s5, s6  }
0x15a: {  	s4 =	simm.s32 @!p0 $0x0;
	s5 =	simm.s32 @!p0 $0x0  }
0x15b: {  	p0 =	sle.s32 s5, s4  }
.Ltmp2:
0x15c: {  	_ = 	snop;
	(pc) =	sbr.rel @p0 .LBB2_10-.Ltmp2, $4  }
0x15d: {  	s30 =	simm.s32 $0x2;
	v0 =	vpop (erf)  }
0x15e: {  	_ =	swait.ge [sflag:s30], $0x400  }
0x15f: {  	s31 =	sshll.u32 s0, $0x8;
	[sflag:s30] =	ssyncset.done $0x0  }
0x160: {  	s2 =	sadd.s32 s2, s31;
	v1 =	vmax.f32 v2, v1;
	[sflag:s30] =	ssyncadd.s32 $0xFFFFFC00  }
0x161: {  	s5 =	ssub.s32 s5, s4  }
0x162: {  	s6 =	sshll.u32 s4, $0x6;
	s3 =	sshll.u32 s3, $0x2;
	p1 =	sne.s32 s5, $0x1  }
.Ltmp3:
0x163: {  	s7 =	sshll.u32 s0, $0xD;
	s3 =	sadd.s32 s3, s6;
	(pc) =	sbr.rel @!p1 .LBB2_6-.Ltmp3, $4  }
0x164: {  	s3 =	ssub.s32 s3, s7  }
0x165: {  	s31 =	sshra.s32 s6, $0x2;
	s3 =	sadd.s32 $0x40, s3  }
0x166: {  	s4 =	sadd.s32 $0x3280, s31;
	s3 =	sshra.s32 s3, $0x2  }
0x167: {  	v0 =	vmul.f32 v0, v1;
	p0 =	por $0x0, $0x0;
	s6 =	sadd.s32 $0xFFFFFFFF, s5;
	v1 =	vld [tilespmem:s4+$0x0];
	s3 =	sadd.s32 $0x2A00, s3  }
0x168: {  	_ =	sdelay $0x1  }
0x169: {  	p1 =	sne.s32 s6, $0x1  }
.Ltmp4:
0x16a: {  	_ = 	snop;
	(pc) =	sbr.rel @!p1 .LBB2_9-.Ltmp4, $3  }
0x16b: {  	v1 =	vmul.f32 v1, v0;
	_ =	sdelay $0x1  }
0x16c: {  	s5 =	sadd.s32 $0x10, s4;
	[tilespmem:s3+$0x0] =	vst v1  }
0x16d: {  	s6 =	sadd.s32 $0xFFFFFFFF, s6;
	p0 =	por $0x1, $0x1;
	s4 =	smov.u32 s3;
	v1 =	vld [tilespmem:s5+$0x0]  }
.LBB2_8:
0x16e: {  	p1 =	sne.s32 s6, $0x1;
	_ =	sdelay $0x2  }
.Ltmp5:
0x16f: {  	(pc) =	sbr.rel @p1 .LBB2_8-.Ltmp5, $4  }
0x170: {  	v1 =	vmul.f32 v1, v0  }
0x171: {  	s4 =	sadd.s32 $0x10, s4  }
0x172: {  	s5 =	sadd.s32 $0x10, s5;
	[tilespmem:s4+$0x0] =	vst v1  }
0x173: {  	s6 =	sadd.s32 $0xFFFFFFFF, s6;
	v1 =	vld [tilespmem:s5+$0x0]  }
.LBB2_9:
0x174: {  	_ =	sdelay $0x3  }
0x175: {  	s4 =	sadd.s32 @p0 $0x10, s4;
	v0 =	vmul.f32 v1, v0  }
0x176: {  	s3 =	smov.u32 @p0 s4  }
0x177: {  	[tilespmem:s3+$0x0] =	vst v0  }
.LBB2_10:
0x178: {  	s3 =	simm.s32 $0x0;
	s4 =	simm.s32 $0x2A10;
	s31 =	simm.s32 $0x4  }
0x179: {  	[hbm4b:s2+s3] =	stream.linear.scatter [tilespmem:s4], [sflag:$0x4], $0x800, $0x38;
	[tilespmem:$0x36B0] =	vst v63  }
0x17a: {  	_ =	swait.ge [sflag:s31], $0x800  }
0x17b: {  	[sflag:s31] =	ssyncset.done $0x0  }
0x17c: {  	[sflag:s31] =	ssyncadd.s32 $0xFFFFF800  }
0x17d: {  	_ =	sfence.sel $0x180000  }
0x17e: {  	[bflag:$0x0] =	sbarrier.arrive $0xFFFF  }
0x17f: {  	p0 =	sne.s32 s0, $0x0;
	_ =	strace $0x90000047  }
0x180: {  	s0 =	sadd.s32 @!p0 $0x100000, s1;
	[bflag:$0x2] =	sbarrier.arrive $0xFFFF  }
0x181: {  	[sflag:s0] =	ssyncadd.tile.s32 @!p0 $0x1;
	_ =	shalt  }
.LBB2_6:
.Ltmp6:
0x182: {  	(pc) =	sbr.rel .LBB2_9-.Ltmp6, $2  }
0x183: {  	_ =	sdelay $0x2  }
0x184: {  	s4 =	smov.u32 s3  }
.Lfunc_end2:
_tile_overlayer_lowered:
.L_overlay_start_2:
0x185: {  	(tag) =	ssettag $0x2  }
0x186: {  	s0 =	rddreg [dreg:$0x0];
	s2 =	stileid.u32  }
0x187: {  	s1 =	rddreg [dreg:$0x1];
	p0 =	sne.s32 s2, $0x0  }
0x188: {  	s3 =	rddreg [dreg:$0x2];
	[bflag:$0x3] =	sbarrier.arrive $0xFFFF;
	s2 =	simm.s32 @!p0 $0x1C04  }
0x189: {  	[timem:s3], [sflag:s2] =	dma.local @!p0 [hbm:s0], s1  }
0x18a: {  	s0 =	simm.s32 @!p0 $0x4  }
0x18b: {  	_ =	swait.ge @!p0 [sflag:s0], s1  }
0x18c: {  	s1 =	ssub.s32 @!p0 $0x0, s1;
	[sflag:s0] =	ssyncset.done @!p0 $0x0  }
0x18d: {  	[sflag:s0] =	ssyncadd.s32 @!p0 s1  }
0x18e: {  	[bflag:$0x3] =	sbarrier.arrive $0xFFFF  }
0x18f: {  	_ =	shalt  }

</sc_bundles>
